<compile_context>
chip_gen: v7x
topology: tpu7x:2x2x1
jax: 0.10.2.dev20260603
libtpu: 0.0.44.dev20260713+nightly
codegen_flags: <defaults>
</compile_context>

<pallas_src>
import functools

import numpy as np
import jax
import jax.numpy as jnp
from jax import lax
from jax.experimental import pallas as pl
from jax.experimental.pallas import tpu as pltpu
from jax.experimental.pallas import tpu_sc as plsc

B, AT, NBR, NBRT = 4, 128, 32, 96
F = 128
NGD = 25
NGT = 25
NTH = 10
ZETA = 8.0
CUTOFF = 6.0
NINT = 3
MAXZ = 100

BA = B * AT
RTB = AT * NBRT
RDB = AT * NBR
NCH = 2
RTC = RTB // NCH
FTW = NGT * NTH

_LOG2 = float(np.log(2.0))

_offs = np.linspace(0.001, CUTOFF - 0.5, NGT)
_W2 = float(_offs[1] - _offs[0]) ** 2
_OFFCOL = _offs.reshape(NGT, 1).astype(np.float32)
_theta = np.linspace(0.0, np.pi, NTH)
_CTCOL = np.cos(_theta).reshape(NTH, 1).astype(np.float32)
_STCOL = np.sin(_theta).reshape(NTH, 1).astype(np.float32)
_EGT = np.zeros((FTW, NGT), np.float32)
_ETT = np.zeros((FTW, NTH), np.float32)
for _g in range(NGT):
    for _t in range(NTH):
        _EGT[_g * NTH + _t, _g] = 1.0
        _ETT[_g * NTH + _t, _t] = 1.0
_REPT = np.kron(np.eye(AT, dtype=np.float32), np.ones((1, NBRT), np.float32))
_REPD = np.kron(np.eye(AT, dtype=np.float32), np.ones((1, NBR), np.float32))
_SEGT = _REPT.T.copy()
_SEGD = _REPD.T.copy()


def _ssp(x):
    return jnp.maximum(x, 0.0) + jnp.log(1.0 + jnp.exp(-jnp.abs(x))) - _LOG2


def _cutoff(r):
    return 0.5 * (jnp.cos(r * (np.pi / CUTOFF)) + 1.0) * (r < CUTOFF).astype(r.dtype)


def _dot(a, b):
    return jnp.dot(a, b, preferred_element_type=jnp.float32)


_SC_NC = 2
_SC_NS = 16
_NW = _SC_NC * _SC_NS
_EPW = BA // _NW


def _embed_sc_body(atn_hbm, emb_hbm, out_hbm, idx_v, rows_v, sem):
    wid = lax.axis_index("s") * _SC_NC + lax.axis_index("c")
    base = wid * _EPW
    pltpu.sync_copy(atn_hbm.at[pl.ds(base, _EPW)], idx_v)
    pltpu.async_copy(emb_hbm.at[idx_v], rows_v, sem).wait()
    pltpu.sync_copy(rows_v, out_hbm.at[pl.ds(base, _EPW)])


def _embed_sc(atn_flat, emb):
    k = functools.partial(
        pl.kernel,
        mesh=plsc.VectorSubcoreMesh(core_axis_name="c", subcore_axis_name="s"),
        out_type=jax.ShapeDtypeStruct((BA, F), jnp.float32),
        scratch_types=[
            pltpu.VMEM((_EPW,), jnp.int32),
            pltpu.VMEM((_EPW, F), jnp.float32),
            pltpu.SemaphoreType.DMA,
        ],
    )(_embed_sc_body)
    return k(atn_flat, emb)


def _fused_body(x0_ref, pos_ref, nbrd_ref, nbrj_ref, nbrk_ref,
                nmask_ref, tmask_ref,
                offc_ref, ctc_ref, stc_ref, egt_ref, ett_ref,
                rept_ref, repd_ref, segt_ref, segd_ref,
                fdw1_ref, fdb1_ref, fdw2_ref, fdb2_ref,
                ftw1_ref, ftb1_ref, ftw2_ref, ftb2_ref,
                in2f_ref, f2ow_ref, f2ob_ref, dw_ref, db_ref,
                xo_ref):
    bf16 = jnp.bfloat16
    f32 = jnp.float32
    pos3 = pos_ref[0]
    pos_t = jnp.concatenate(
        [pos3, jnp.zeros((AT, 5), f32)], axis=1).T
    pos_hi = pos_t.astype(bf16)
    pos_lo = (pos_t - pos_hi.astype(f32)).astype(bf16)
    pos_hl = jnp.concatenate([pos_hi, pos_lo], axis=0)
    offc = offc_ref[...]

    io_t = jax.lax.broadcasted_iota(jnp.int32, (AT, RTB), 0)

    def onehot_b(idx_row, width):
        return (io_t[:, :width] == idx_row).astype(bf16)

    def gather_pos(oh_b):
        g = _dot(pos_hl, oh_b)
        return g[:8, :] + g[8:, :]

    bias_cols = jnp.concatenate(
        [fdb1_ref[...], fdb2_ref[...], ftb1_ref[...], ftb2_ref[...],
         f2ob_ref[...], db_ref[...]], axis=0).T

    def bcol(j):
        return bias_cols[:, j:j + 1]

    ohd_b = onehot_b(nbrd_ref[0], RDB)
    pj_d = gather_pos(ohd_b)
    pi_d = gather_pos(repd_ref[...])
    vd = pj_d - pi_d
    rdst = jnp.sqrt(jnp.sum(vd * vd, axis=0, keepdims=True) + 1e-9)
    sdd = rdst - offc
    fd_b = jnp.exp((-0.5 / _W2) * sdd * sdd).astype(bf16)
    cdf = _cutoff(rdst) * nmask_ref[0]

    ohj_b = onehot_b(nbrj_ref[0], RTB)
    ohk_b = onehot_b(nbrk_ref[0], RTB)
    pi_t = gather_pos(rept_ref[...])
    vij = gather_pos(ohj_b) - pi_t
    vik = gather_pos(ohk_b) - pi_t
    rij = jnp.sqrt(jnp.sum(vij * vij, axis=0, keepdims=True) + 1e-9)
    rik = jnp.sqrt(jnp.sum(vik * vik, axis=0, keepdims=True) + 1e-9)
    cost = jnp.sum(vij * vik, axis=0, keepdims=True) / (rij * rik)
    cost = jnp.clip(cost, -1.0 + 1e-6, 1.0 - 1e-6)
    sint = jnp.sqrt(1.0 - cost * cost)
    sij = rij - offc
    sik = rik - offc
    gr_b = jnp.exp((-0.5 / _W2) * (sij * sij + sik * sik)).astype(bf16)
    base = 1.0 + ctc_ref[...] * cost + stc_ref[...] * sint
    b2 = base * base
    b4 = b2 * b2
    ang_b = ((b4 * b4) * (2.0 ** (1.0 - ZETA))).astype(bf16)
    rboth = jnp.concatenate([rij, rik], axis=0)
    cutb = _cutoff(rboth)
    ctf = cutb[0:1, :] * cutb[1:2, :] * tmask_ref[0]

    egt_b = egt_ref[...].astype(bf16)
    ett_b = ett_ref[...].astype(bf16)
    segt_b = segt_ref[...]
    segd_b = segd_ref[...]

    x_t = x0_ref[...].T
    for i in range(NINT):
        fdw1t = fdw1_ref[i].T.astype(bf16)
        fdw2t = fdw2_ref[i].T.astype(bf16)
        ftw1t = ftw1_ref[i].T.astype(bf16)
        ftw2t = ftw2_ref[i].T.astype(bf16)
        in2ft = in2f_ref[i].T
        f2owt = f2ow_ref[i].T
        dwt = dw_ref[i].T
        y_t = _dot(in2ft, x_t)
        y_b = y_t.astype(bf16)
        hd = _ssp(_dot(fdw1t, fd_b) + bcol(i))
        wd = (_dot(fdw2t, hd.astype(bf16)) + bcol(NINT + i)) * cdf
        prod_d = (_dot(y_b, ohd_b) * wd).astype(bf16)
        agg = _dot(prod_d, segd_b)
        for c in range(NCH):
            lo, hi = c * RTC, (c + 1) * RTC
            feat = (_dot(egt_b, gr_b[:, lo:hi])
                    * _dot(ett_b, ang_b[:, lo:hi])).astype(bf16)
            ht = _ssp(_dot(ftw1t, feat) + bcol(2 * NINT + i))
            wt = (_dot(ftw2t, ht.astype(bf16))
                  + bcol(3 * NINT + i)) * ctf[:, lo:hi]
            prod_t = (_dot(y_b, ohj_b[:, lo:hi]) * _dot(y_b, ohk_b[:, lo:hi])
                      * wt).astype(bf16)
            agg = agg + _dot(prod_t, segt_b[lo:hi, :])
        v = _ssp(_dot(f2owt, agg) + bcol(4 * NINT + i))
        x_t = x_t + _dot(dwt, v) + bcol(5 * NINT + i)
    xo_ref[0] = x_t.T


def kernel(atomic_numbers, positions, neighbors, neighbor_mask, neighbors_j,
           neighbors_k, triple_mask, emb, fd_W1, fd_b1, fd_W2, fd_b2,
           ft_W1, ft_b1, ft_W2, ft_b2, in2f_W, f2out_W, f2out_b,
           dense_W, dense_b):
    f32 = jnp.float32
    bf16 = jnp.bfloat16
    nbrd_b = neighbors.astype(jnp.int32).reshape(B, 1, RDB)
    nbrj_b = neighbors_j.astype(jnp.int32).reshape(B, 1, RTB)
    nbrk_b = neighbors_k.astype(jnp.int32).reshape(B, 1, RTB)
    nmask_b = neighbor_mask.astype(f32).reshape(B, 1, RDB)
    tmask_b = triple_mask.astype(f32).reshape(B, 1, RTB)

    x0 = _embed_sc(atomic_numbers.astype(jnp.int32).reshape(BA),
                   emb.astype(f32))

    whole = lambda *shape: pl.BlockSpec(shape, lambda g: tuple(0 for _ in shape))
    perb = lambda *shape: pl.BlockSpec((1,) + shape, lambda g: (g,) + tuple(
        0 for _ in shape))

    out = pl.pallas_call(
        _fused_body,
        grid=(B,),
        in_specs=[
            pl.BlockSpec((AT, F), lambda g: (g, 0)),
            perb(AT, 3),
            perb(1, RDB), perb(1, RTB), perb(1, RTB),
            perb(1, RDB), perb(1, RTB),
            whole(NGT, 1), whole(NTH, 1), whole(NTH, 1),
            whole(FTW, NGT), whole(FTW, NTH),
            whole(AT, RTB), whole(AT, RDB),
            whole(RTB, AT), whole(RDB, AT),
            whole(NINT, NGD, F), whole(NINT, F),
            whole(NINT, F, F), whole(NINT, F),
            whole(NINT, FTW, F), whole(NINT, F),
            whole(NINT, F, F), whole(NINT, F),
            whole(NINT, F, F), whole(NINT, F, F), whole(NINT, F),
            whole(NINT, F, F), whole(NINT, F),
        ],
        out_specs=pl.BlockSpec((1, AT, F), lambda g: (g, 0, 0)),
        out_shape=jax.ShapeDtypeStruct((B, AT, F), f32),
    )(x0, positions, nbrd_b, nbrj_b, nbrk_b, nmask_b, tmask_b,
      jnp.asarray(_OFFCOL), jnp.asarray(_CTCOL), jnp.asarray(_STCOL),
      jnp.asarray(_EGT), jnp.asarray(_ETT),
      jnp.asarray(_REPT).astype(bf16), jnp.asarray(_REPD).astype(bf16),
      jnp.asarray(_SEGT).astype(bf16), jnp.asarray(_SEGD).astype(bf16),
      fd_W1, fd_b1, fd_W2, fd_b2, ft_W1, ft_b1, ft_W2, ft_b2,
      in2f_W, f2out_W, f2out_b, dense_W, dense_b)
    return out

# --- scband reference (transcript-rebuilt; emitter-appended) ---
"""Pipeline reference for scband-sch-net-triple-19937238188171 (READ-ONLY COPY).

The authoritative reference and input builder live on the scoring server;
editing this copy changes nothing except your own understanding.
"""

import jax, jax.numpy as jnp
import numpy as np

B, AT, NBR, NBRT = 4, 128, 32, 96
F = 128; NF = 128; NGD = 25; NGT = 25; NTH = 10
ZETA = 8.0; CUTOFF = 6.0; NINT = 3; MAXZ = 100


def _gather(y, nbh):
    b, at, n = nbh.shape
    idx = nbh.reshape(b, at * n)[:, :, None]
    out = jnp.take_along_axis(y, idx, axis=1)
    return out.reshape(b, at, n, y.shape[-1])


def _distances(positions, nbh):
    pos_j = _gather(positions, nbh)
    vec = pos_j - positions[:, :, None, :]
    r = jnp.sqrt(jnp.sum(vec * vec, axis=-1) + 1e-9)
    return r, vec


def _gaussian(r, n_g):
    offsets = jnp.linspace(0.001, CUTOFF - 0.5, n_g)
    width = offsets[1] - offsets[0]
    return jnp.exp(-0.5 * ((r[..., None] - offsets) / width) ** 2)


def _ssp(x):
    return jax.nn.softplus(x) - float(np.log(2.0))


def _cosine_cutoff(r):
    return 0.5 * (jnp.cos(r * np.pi / CUTOFF) + 1.0) * (r < CUTOFF).astype(r.dtype)


def _angular(cos_t):
    cos_t = jnp.clip(cos_t, -1.0 + 1e-6, 1.0 - 1e-6)
    theta = jnp.arccos(cos_t)
    theta_s = jnp.linspace(0.0, np.pi, NTH)
    return (2.0 ** (1.0 - ZETA)) * (1.0 + jnp.cos(theta[..., None] - theta_s)) ** ZETA


def setup_inputs(seed: int = 0):
    key = jax.random.key(seed)
    ks = jax.random.split(key, 24)
    s = 0.08
    inp = {}
    inp["atomic_numbers"] = jax.random.randint(ks[0], (B, AT), 0, MAXZ)
    inp["positions"] = jax.random.normal(ks[1], (B, AT, 3), dtype=jnp.float32) * 2.0
    inp["neighbors"] = jax.random.randint(ks[2], (B, AT, NBR), 0, AT)
    inp["neighbor_mask"] = jnp.ones((B, AT, NBR), dtype=jnp.float32)
    inp["neighbors_j"] = jax.random.randint(ks[3], (B, AT, NBRT), 0, AT)
    inp["neighbors_k"] = jax.random.randint(ks[4], (B, AT, NBRT), 0, AT)
    inp["triple_mask"] = jnp.ones((B, AT, NBRT), dtype=jnp.float32)
    inp["emb"] = jax.random.normal(ks[5], (MAXZ, F), dtype=jnp.float32) * s
    inp["fd_W1"] = jax.random.normal(ks[6], (NINT, NGD, NF), dtype=jnp.float32) * s
    inp["fd_b1"] = jnp.zeros((NINT, NF), dtype=jnp.float32)
    inp["fd_W2"] = jax.random.normal(ks[7], (NINT, NF, NF), dtype=jnp.float32) * s
    inp["fd_b2"] = jnp.zeros((NINT, NF), dtype=jnp.float32)
    inp["ft_W1"] = jax.random.normal(ks[8], (NINT, NGT * NTH, NF), dtype=jnp.float32) * s
    inp["ft_b1"] = jnp.zeros((NINT, NF), dtype=jnp.float32)
    inp["ft_W2"] = jax.random.normal(ks[9], (NINT, NF, NF), dtype=jnp.float32) * s
    inp["ft_b2"] = jnp.zeros((NINT, NF), dtype=jnp.float32)
    inp["in2f_W"] = jax.random.normal(ks[10], (NINT, F, NF), dtype=jnp.float32) * s
    inp["f2out_W"] = jax.random.normal(ks[11], (NINT, NF, F), dtype=jnp.float32) * s
    inp["f2out_b"] = jnp.zeros((NINT, F), dtype=jnp.float32)
    inp["dense_W"] = jax.random.normal(ks[12], (NINT, F, F), dtype=jnp.float32) * s
    inp["dense_b"] = jnp.zeros((NINT, F), dtype=jnp.float32)
    return inp


def reference(atomic_numbers, positions, neighbors, neighbor_mask, neighbors_j, neighbors_k, triple_mask, emb, fd_W1, fd_b1, fd_W2, fd_b2, ft_W1, ft_b1, ft_W2, ft_b2, in2f_W, f2out_W, f2out_b, dense_W, dense_b):
    x = emb[atomic_numbers]
    r_double, _ = _distances(positions, neighbors)
    f_double = _gaussian(r_double, NGD)
    r_ij, v_ij = _distances(positions, neighbors_j)
    r_ik, v_ik = _distances(positions, neighbors_k)
    cos_t = jnp.sum(v_ij * v_ik, axis=-1) / (r_ij * r_ik)
    ang = _angular(cos_t)
    rad = _gaussian(r_ij, NGT) * _gaussian(r_ik, NGT)
    triple_ijk = (rad[..., :, None] * ang[..., None, :]).reshape(B, AT, NBRT, NGT * NTH)
    cd = _cosine_cutoff(r_double)
    ct = _cosine_cutoff(r_ij) * _cosine_cutoff(r_ik)
    for i in range(NINT):
        Wd = _ssp(f_double @ fd_W1[i] + fd_b1[i]) @ fd_W2[i] + fd_b2[i]
        Wd = Wd * cd[..., None]
        Wt = _ssp(triple_ijk @ ft_W1[i] + ft_b1[i]) @ ft_W2[i] + ft_b2[i]
        Wt = Wt * ct[..., None]
        y = x @ in2f_W[i]
        yj = _gather(y, neighbors)
        agg_d = jnp.sum(yj * Wd * neighbor_mask[..., None], axis=2)
        yj2 = _gather(y, neighbors_j)
        yk = _gather(y, neighbors_k)
        agg_t = jnp.sum(yj2 * yk * Wt * triple_mask[..., None], axis=2)
        v = _ssp((agg_d + agg_t) @ f2out_W[i] + f2out_b[i])
        v = v @ dense_W[i] + dense_b[i]
        x = x + v
    return x

if __name__ == "__main__":
    import jax
    _d = setup_inputs()
    print(jax.jit(kernel)(*tuple(_d.values())))

</pallas_src>

<mosaic_0001>
#map = affine_map<(d0, d1) -> (0)>
#map1 = affine_map<(d0, d1) -> (0, 0)>
module attributes {stable_mosaic.version = 14 : i64} {
  func.func @_embed_sc_body(%arg0: i32, %arg1: i32, %arg2: memref<512xi32, #tpu.memory_space<hbm>>, %arg3: memref<100x128xf32, #tpu.memory_space<hbm>>, %arg4: memref<512x128xf32, #tpu.memory_space<hbm>>, %arg5: memref<16xi32, #tpu.memory_space<vmem>>, %arg6: memref<16x128xf32, #tpu.memory_space<vmem>>, %arg7: memref<!tpu.dma_semaphore, #tpu.memory_space<semaphore_mem>>) attributes {dimension_semantics = [#tpu.dimension_semantics<core_parallel>, #tpu.dimension_semantics<subcore_parallel>], iteration_bounds = array<i64: 2, 16>, scalar_prefetch = 0 : i64, scratch_operands = 3 : i64, tpu.core_type = #tpu.core_type<sc_vector_subcore>, window_params = [{transform_indices = #map}, {transform_indices = #map1}, {transform_indices = #map1}]} {
    %mul3A = arith.constant 2 : i32
    %mul3A_0 = arith.muli %arg1, %mul3A : i32
    %add3A = arith.addi %mul3A_0, %arg0 : i32
    %mul3A_1 = arith.constant 16 : i32
    %mul3A_2 = arith.muli %add3A, %mul3A_1 : i32
    "tpu.region"() ({
      %run_scoped3A = tpu.sem_alloc : memref<!tpu.dma_semaphore, #tpu.memory_space<semaphore_mem>>
      %dma_start3A_7 = tpu.memref_slice %arg2[%mul3A_2] : memref<512xi32, #tpu.memory_space<hbm>> -> memref<16xi32, #tpu.memory_space<hbm>>
      %dma_start3A_8 = tpu.memref_slice %arg2[%mul3A_2] : memref<512xi32, #tpu.memory_space<hbm>> -> memref<16xi32, #tpu.memory_space<hbm>>
      tpu.enqueue_dma source(%dma_start3A_8 : memref<16xi32, #tpu.memory_space<hbm>>) target(%arg5 : memref<16xi32, #tpu.memory_space<vmem>>) target_semaphore(%run_scoped3A : memref<!tpu.dma_semaphore, #tpu.memory_space<semaphore_mem>>)
      %dma_wait3A_9 = tpu.memref_slice %arg2[%mul3A_2] : memref<512xi32, #tpu.memory_space<hbm>> -> memref<16xi32, #tpu.memory_space<hbm>>
      %dma_wait3A_10 = tpu.memref_slice %arg2[%mul3A_2] : memref<512xi32, #tpu.memory_space<hbm>> -> memref<16xi32, #tpu.memory_space<hbm>>
      tpu.wait_dma2 semaphore(%run_scoped3A : memref<!tpu.dma_semaphore, #tpu.memory_space<semaphore_mem>>) src(%dma_wait3A_10 : memref<16xi32, #tpu.memory_space<hbm>>) dst(%arg5 : memref<16xi32, #tpu.memory_space<vmem>>)
      tpu.yield
    }) : () -> ()
    %dma_start3A = arith.constant 0 : i32
    %dma_start3A_3 = arith.constant 0 : i32
    %dma_start3A_4 = tpu.memref_slice %arg3[%dma_start3A, %dma_start3A_3] : memref<100x128xf32, #tpu.memory_space<hbm>> -> memref<100x128xf32, #tpu.memory_space<hbm>>
    tpu.enqueue_indirect_dma source(%dma_start3A_4 : memref<100x128xf32, #tpu.memory_space<hbm>>) target(%arg6 : memref<16x128xf32, #tpu.memory_space<vmem>>) offsets(%arg5 : memref<16xi32, #tpu.memory_space<vmem>>) semaphore(%arg7 : memref<!tpu.dma_semaphore, #tpu.memory_space<semaphore_mem>>)
    %dma_wait3A = arith.constant 0 : i32
    %dma_wait3A_5 = arith.constant 0 : i32
    %dma_wait3A_6 = tpu.memref_slice %arg3[%dma_wait3A, %dma_wait3A_5] : memref<100x128xf32, #tpu.memory_space<hbm>> -> memref<100x128xf32, #tpu.memory_space<hbm>>
    tpu.wait_indirect_dma semaphore(%arg7 : memref<!tpu.dma_semaphore, #tpu.memory_space<semaphore_mem>>) src(%dma_wait3A_6 : memref<100x128xf32, #tpu.memory_space<hbm>>) dst(%arg6 : memref<16x128xf32, #tpu.memory_space<vmem>>)
    "tpu.region"() ({
      %run_scoped3A = tpu.sem_alloc : memref<!tpu.dma_semaphore, #tpu.memory_space<semaphore_mem>>
      %dma_start3A_7 = arith.constant 0 : i32
      %dma_start3A_8 = tpu.memref_slice %arg4[%mul3A_2, %dma_start3A_7] : memref<512x128xf32, #tpu.memory_space<hbm>> -> memref<16x128xf32, #tpu.memory_space<hbm>>
      %dma_start3A_9 = arith.constant 0 : i32
      %dma_start3A_10 = tpu.memref_slice %arg4[%mul3A_2, %dma_start3A_9] : memref<512x128xf32, #tpu.memory_space<hbm>> -> memref<16x128xf32, #tpu.memory_space<hbm>>
      tpu.enqueue_dma source(%arg6 : memref<16x128xf32, #tpu.memory_space<vmem>>) target(%dma_start3A_10 : memref<16x128xf32, #tpu.memory_space<hbm>>) target_semaphore(%run_scoped3A : memref<!tpu.dma_semaphore, #tpu.memory_space<semaphore_mem>>)
      %dma_wait3A_11 = arith.constant 0 : i32
      %dma_wait3A_12 = tpu.memref_slice %arg4[%mul3A_2, %dma_wait3A_11] : memref<512x128xf32, #tpu.memory_space<hbm>> -> memref<16x128xf32, #tpu.memory_space<hbm>>
      %dma_wait3A_13 = arith.constant 0 : i32
      %dma_wait3A_14 = tpu.memref_slice %arg4[%mul3A_2, %dma_wait3A_13] : memref<512x128xf32, #tpu.memory_space<hbm>> -> memref<16x128xf32, #tpu.memory_space<hbm>>
      tpu.wait_dma2 semaphore(%run_scoped3A : memref<!tpu.dma_semaphore, #tpu.memory_space<semaphore_mem>>) src(%arg6 : memref<16x128xf32, #tpu.memory_space<vmem>>) dst(%dma_wait3A_14 : memref<16x128xf32, #tpu.memory_space<hbm>>)
      tpu.yield
    }) : () -> ()
    return
  }
}

module attributes {stable_mosaic.version = 14 : i64} {
  func.func @_fused_body(%arg0: i32, %arg1: memref<128x128xf32, #tpu.memory_space<vmem>>, %arg2: memref<1x128x3xf32, #tpu.memory_space<vmem>>, %arg3: memref<1x1x4096xi32, #tpu.memory_space<vmem>>, %arg4: memref<1x1x12288xi32, #tpu.memory_space<vmem>>, %arg5: memref<1x1x12288xi32, #tpu.memory_space<vmem>>, %arg6: memref<1x1x4096xf32, #tpu.memory_space<vmem>>, %arg7: memref<1x1x12288xf32, #tpu.memory_space<vmem>>, %arg8: memref<25x1xf32, #tpu.memory_space<vmem>>, %arg9: memref<10x1xf32, #tpu.memory_space<vmem>>, %arg10: memref<10x1xf32, #tpu.memory_space<vmem>>, %arg11: memref<250x25xf32, #tpu.memory_space<vmem>>, %arg12: memref<250x10xf32, #tpu.memory_space<vmem>>, %arg13: memref<128x12288xbf16, #tpu.memory_space<vmem>>, %arg14: memref<128x4096xbf16, #tpu.memory_space<vmem>>, %arg15: memref<12288x128xbf16, #tpu.memory_space<vmem>>, %arg16: memref<4096x128xbf16, #tpu.memory_space<vmem>>, %arg17: memref<3x25x128xf32, #tpu.memory_space<vmem>>, %arg18: memref<3x128xf32, #tpu.memory_space<vmem>>, %arg19: memref<3x128x128xf32, #tpu.memory_space<vmem>>, %arg20: memref<3x128xf32, #tpu.memory_space<vmem>>, %arg21: memref<3x250x128xf32, #tpu.memory_space<vmem>>, %arg22: memref<3x128xf32, #tpu.memory_space<vmem>>, %arg23: memref<3x128x128xf32, #tpu.memory_space<vmem>>, %arg24: memref<3x128xf32, #tpu.memory_space<vmem>>, %arg25: memref<3x128x128xf32, #tpu.memory_space<vmem>>, %arg26: memref<3x128x128xf32, #tpu.memory_space<vmem>>, %arg27: memref<3x128xf32, #tpu.memory_space<vmem>>, %arg28: memref<3x128x128xf32, #tpu.memory_space<vmem>>, %arg29: memref<3x128xf32, #tpu.memory_space<vmem>>, %arg30: memref<1x128x128xf32, #tpu.memory_space<vmem>>) attributes {dimension_semantics = [#tpu.dimension_semantics<arbitrary>], iteration_bounds = array<i64: 4>, scalar_prefetch = 0 : i64, scratch_operands = 0 : i64, tpu.core_type = #tpu.core_type<tc>, window_params = [{transform_indices = @transform_0, window_bounds = array<i64: 128, 128>}, {transform_indices = @transform_1, window_bounds = array<i64: 1, 128, 3>}, {transform_indices = @transform_2, window_bounds = array<i64: 1, 1, 4096>}, {transform_indices = @transform_3, window_bounds = array<i64: 1, 1, 12288>}, {transform_indices = @transform_4, window_bounds = array<i64: 1, 1, 12288>}, {transform_indices = @transform_5, window_bounds = array<i64: 1, 1, 4096>}, {transform_indices = @transform_6, window_bounds = array<i64: 1, 1, 12288>}, {pipeline_mode = #tpu.pipeline_mode<synchronous>, transform_indices = @transform_7, window_bounds = array<i64: 25, 1>}, {pipeline_mode = #tpu.pipeline_mode<synchronous>, transform_indices = @transform_8, window_bounds = array<i64: 10, 1>}, {pipeline_mode = #tpu.pipeline_mode<synchronous>, transform_indices = @transform_9, window_bounds = array<i64: 10, 1>}, {pipeline_mode = #tpu.pipeline_mode<synchronous>, transform_indices = @transform_10, window_bounds = array<i64: 250, 25>}, {pipeline_mode = #tpu.pipeline_mode<synchronous>, transform_indices = @transform_11, window_bounds = array<i64: 250, 10>}, {pipeline_mode = #tpu.pipeline_mode<synchronous>, transform_indices = @transform_12, window_bounds = array<i64: 128, 12288>}, {pipeline_mode = #tpu.pipeline_mode<synchronous>, transform_indices = @transform_13, window_bounds = array<i64: 128, 4096>}, {pipeline_mode = #tpu.pipeline_mode<synchronous>, transform_indices = @transform_14, window_bounds = array<i64: 12288, 128>}, {pipeline_mode = #tpu.pipeline_mode<synchronous>, transform_indices = @transform_15, window_bounds = array<i64: 4096, 128>}, {pipeline_mode = #tpu.pipeline_mode<synchronous>, transform_indices = @transform_16, window_bounds = array<i64: 3, 25, 128>}, {pipeline_mode = #tpu.pipeline_mode<synchronous>, transform_indices = @transform_17, window_bounds = array<i64: 3, 128>}, {pipeline_mode = #tpu.pipeline_mode<synchronous>, transform_indices = @transform_18, window_bounds = array<i64: 3, 128, 128>}, {pipeline_mode = #tpu.pipeline_mode<synchronous>, transform_indices = @transform_19, window_bounds = array<i64: 3, 128>}, {pipeline_mode = #tpu.pipeline_mode<synchronous>, transform_indices = @transform_20, window_bounds = array<i64: 3, 250, 128>}, {pipeline_mode = #tpu.pipeline_mode<synchronous>, transform_indices = @transform_21, window_bounds = array<i64: 3, 128>}, {pipeline_mode = #tpu.pipeline_mode<synchronous>, transform_indices = @transform_22, window_bounds = array<i64: 3, 128, 128>}, {pipeline_mode = #tpu.pipeline_mode<synchronous>, transform_indices = @transform_23, window_bounds = array<i64: 3, 128>}, {pipeline_mode = #tpu.pipeline_mode<synchronous>, transform_indices = @transform_24, window_bounds = array<i64: 3, 128, 128>}, {pipeline_mode = #tpu.pipeline_mode<synchronous>, transform_indices = @transform_25, window_bounds = array<i64: 3, 128, 128>}, {pipeline_mode = #tpu.pipeline_mode<synchronous>, transform_indices = @transform_26, window_bounds = array<i64: 3, 128>}, {pipeline_mode = #tpu.pipeline_mode<synchronous>, transform_indices = @transform_27, window_bounds = array<i64: 3, 128, 128>}, {pipeline_mode = #tpu.pipeline_mode<synchronous>, transform_indices = @transform_28, window_bounds = array<i64: 3, 128>}, {transform_indices = @transform_29, window_bounds = array<i64: 1, 128, 128>}]} {
    %get3A = arith.constant 0 : index
    %get3A_0 = arith.constant 0 : index
    %get3A_1 = arith.constant 0 : index
    %get3A_2 = vector.load %arg2[%get3A, %get3A_0, %get3A_1] : memref<1x128x3xf32, #tpu.memory_space<vmem>>, vector<1x128x3xf32>
    %get3A_3 = vector.shape_cast %get3A_2 : vector<1x128x3xf32> to vector<128x3xf32>
    %broadcast_in_dim3A = arith.constant 0.000000e+00 : f32
    %broadcast_in_dim3A_4 = vector.broadcast %broadcast_in_dim3A : f32 to vector<128x5xf32>
    %concatenate3A = tpu.concatenate %get3A_3, %broadcast_in_dim3A_4 in 1 : vector<128x3xf32>, vector<128x5xf32> -> vector<128x8xf32>
    %transpose3A = tpu.transpose %concatenate3A, [1, 0] : vector<128x8xf32> -> vector<8x128xf32>
    %convert_element_type3A = arith.truncf %transpose3A : vector<8x128xf32> to vector<8x128xbf16>
    %convert_element_type3A_5 = arith.extf %convert_element_type3A : vector<8x128xbf16> to vector<8x128xf32>
    %sub3A = arith.subf %transpose3A, %convert_element_type3A_5 : vector<8x128xf32>
    %convert_element_type3A_6 = arith.truncf %sub3A : vector<8x128xf32> to vector<8x128xbf16>
    %concatenate3A_7 = tpu.concatenate %convert_element_type3A, %convert_element_type3A_6 in 0 : vector<8x128xbf16>, vector<8x128xbf16> -> vector<16x128xbf16>
    %get3A_8 = arith.constant 0 : index
    %get3A_9 = arith.constant 0 : index
    %get3A_10 = vector.load %arg8[%get3A_8, %get3A_9] : memref<25x1xf32, #tpu.memory_space<vmem>>, vector<25x1xf32>
    %iota3A = tpu.iota {dimensions = array<i32: 0>} : vector<128x12288xi32>
    %get3A_11 = arith.constant 0 : index
    %get3A_12 = arith.constant 0 : index
    %get3A_13 = vector.load %arg18[%get3A_11, %get3A_12] : memref<3x128xf32, #tpu.memory_space<vmem>>, vector<3x128xf32>
    %get3A_14 = arith.constant 0 : index
    %get3A_15 = arith.constant 0 : index
    %get3A_16 = vector.load %arg20[%get3A_14, %get3A_15] : memref<3x128xf32, #tpu.memory_space<vmem>>, vector<3x128xf32>
    %get3A_17 = arith.constant 0 : index
    %get3A_18 = arith.constant 0 : index
    %get3A_19 = vector.load %arg22[%get3A_17, %get3A_18] : memref<3x128xf32, #tpu.memory_space<vmem>>, vector<3x128xf32>
    %get3A_20 = arith.constant 0 : index
    %get3A_21 = arith.constant 0 : index
    %get3A_22 = vector.load %arg24[%get3A_20, %get3A_21] : memref<3x128xf32, #tpu.memory_space<vmem>>, vector<3x128xf32>
    %get3A_23 = arith.constant 0 : index
    %get3A_24 = arith.constant 0 : index
    %get3A_25 = vector.load %arg27[%get3A_23, %get3A_24] : memref<3x128xf32, #tpu.memory_space<vmem>>, vector<3x128xf32>
    %get3A_26 = arith.constant 0 : index
    %get3A_27 = arith.constant 0 : index
    %get3A_28 = vector.load %arg29[%get3A_26, %get3A_27] : memref<3x128xf32, #tpu.memory_space<vmem>>, vector<3x128xf32>
    %concatenate3A_29 = tpu.concatenate %get3A_13, %get3A_16, %get3A_19, %get3A_22, %get3A_25, %get3A_28 in 0 : vector<3x128xf32>, vector<3x128xf32>, vector<3x128xf32>, vector<3x128xf32>, vector<3x128xf32>, vector<3x128xf32> -> vector<18x128xf32>
    %transpose3A_30 = tpu.transpose %concatenate3A_29, [1, 0] : vector<18x128xf32> -> vector<128x18xf32>
    %get3A_31 = arith.constant 0 : index
    %get3A_32 = arith.constant 0 : index
    %get3A_33 = arith.constant 0 : index
    %get3A_34 = vector.load %arg3[%get3A_31, %get3A_32, %get3A_33] : memref<1x1x4096xi32, #tpu.memory_space<vmem>>, vector<1x1x4096xi32>
    %get3A_35 = vector.shape_cast %get3A_34 : vector<1x1x4096xi32> to vector<1x4096xi32>
    %slice3A = vector.extract_strided_slice %iota3A {offsets = [0, 0], sizes = [128, 4096], strides = [1, 1]} : vector<128x12288xi32> to vector<128x4096xi32>
    %eq3A = vector.broadcast %get3A_35 : vector<1x4096xi32> to vector<128x4096xi32>
    %eq3A_36 = arith.cmpi eq, %slice3A, %eq3A : vector<128x4096xi32>
    %convert_element_type3A_37 = arith.extui %eq3A_36 : vector<128x4096xi1> to vector<128x4096xi32>
    %convert_element_type3A_38 = arith.sitofp %convert_element_type3A_37 : vector<128x4096xi32> to vector<128x4096xf32>
    %convert_element_type3A_39 = arith.truncf %convert_element_type3A_38 : vector<128x4096xf32> to vector<128x4096xbf16>
    %dot_general3A = arith.constant dense<0.000000e+00> : vector<16x4096xf32>
    %dot_general3A_40 = tpu.matmul %concatenate3A_7, %convert_element_type3A_39, %dot_general3A {dimension_numbers = #tpu.dot_dimension_numbers<[1], [0], [0], [1], [0, 0, 1, 1], [], []>, transpose_lhs_hint = false} : vector<16x128xbf16>, vector<128x4096xbf16>, vector<16x4096xf32> -> vector<16x4096xf32>
    %slice3A_41 = vector.extract_strided_slice %dot_general3A_40 {offsets = [0, 0], sizes = [8, 4096], strides = [1, 1]} : vector<16x4096xf32> to vector<8x4096xf32>
    %slice3A_42 = vector.extract_strided_slice %dot_general3A_40 {offsets = [8, 0], sizes = [8, 4096], strides = [1, 1]} : vector<16x4096xf32> to vector<8x4096xf32>
    %add3A = arith.addf %slice3A_41, %slice3A_42 : vector<8x4096xf32>
    %get3A_43 = arith.constant 0 : index
    %get3A_44 = arith.constant 0 : index
    %get3A_45 = vector.load %arg14[%get3A_43, %get3A_44] : memref<128x4096xbf16, #tpu.memory_space<vmem>>, vector<128x4096xbf16>
    %dot_general3A_46 = arith.constant dense<0.000000e+00> : vector<16x4096xf32>
    %dot_general3A_47 = tpu.matmul %concatenate3A_7, %get3A_45, %dot_general3A_46 {dimension_numbers = #tpu.dot_dimension_numbers<[1], [0], [0], [1], [0, 0, 1, 1], [], []>, transpose_lhs_hint = false} : vector<16x128xbf16>, vector<128x4096xbf16>, vector<16x4096xf32> -> vector<16x4096xf32>
    %slice3A_48 = vector.extract_strided_slice %dot_general3A_47 {offsets = [0, 0], sizes = [8, 4096], strides = [1, 1]} : vector<16x4096xf32> to vector<8x4096xf32>
    %slice3A_49 = vector.extract_strided_slice %dot_general3A_47 {offsets = [8, 0], sizes = [8, 4096], strides = [1, 1]} : vector<16x4096xf32> to vector<8x4096xf32>
    %add3A_50 = arith.addf %slice3A_48, %slice3A_49 : vector<8x4096xf32>
    %sub3A_51 = arith.subf %add3A, %add3A_50 : vector<8x4096xf32>
    %mul3A = arith.mulf %sub3A_51, %sub3A_51 : vector<8x4096xf32>
    %reduce_sum3A = arith.constant dense<0.000000e+00> : vector<4096xf32>
    %reduce_sum3A_52 = vector.multi_reduction <add>, %mul3A, %reduce_sum3A [0] : vector<8x4096xf32> to vector<4096xf32>
    %broadcast_in_dim3A_53 = vector.shape_cast %reduce_sum3A_52 : vector<4096xf32> to vector<1x4096xf32>
    %add3A_54 = arith.constant 9.99999971E-10 : f32
    %add3A_55 = vector.broadcast %add3A_54 : f32 to vector<1x4096xf32>
    %add3A_56 = arith.addf %broadcast_in_dim3A_53, %add3A_55 : vector<1x4096xf32>
    %sqrt3A = math.sqrt %add3A_56 : vector<1x4096xf32>
    %sub3A_57 = vector.broadcast %sqrt3A : vector<1x4096xf32> to vector<25x4096xf32>
    %sub3A_58 = vector.broadcast %get3A_10 : vector<25x1xf32> to vector<25x4096xf32>
    %sub3A_59 = arith.subf %sub3A_57, %sub3A_58 : vector<25x4096xf32>
    %mul3A_60 = arith.constant -9.52412414 : f32
    %mul3A_61 = vector.broadcast %mul3A_60 : f32 to vector<25x4096xf32>
    %mul3A_62 = arith.mulf %mul3A_61, %sub3A_59 : vector<25x4096xf32>
    %mul3A_63 = arith.mulf %mul3A_62, %sub3A_59 : vector<25x4096xf32>
    %exp3A = math.exp %mul3A_63 : vector<25x4096xf32>
    %convert_element_type3A_64 = arith.truncf %exp3A : vector<25x4096xf32> to vector<25x4096xbf16>
    %mul3A_65 = arith.constant 0.52359879 : f32
    %mul3A_66 = vector.broadcast %mul3A_65 : f32 to vector<1x4096xf32>
    %mul3A_67 = arith.mulf %sqrt3A, %mul3A_66 : vector<1x4096xf32>
    %cos3A = math.cos %mul3A_67 : vector<1x4096xf32>
    %add3A_68 = arith.constant 1.000000e+00 : f32
    %add3A_69 = vector.broadcast %add3A_68 : f32 to vector<1x4096xf32>
    %add3A_70 = arith.addf %cos3A, %add3A_69 : vector<1x4096xf32>
    %mul3A_71 = arith.constant 5.000000e-01 : f32
    %mul3A_72 = vector.broadcast %mul3A_71 : f32 to vector<1x4096xf32>
    %mul3A_73 = arith.mulf %mul3A_72, %add3A_70 : vector<1x4096xf32>
    %lt3A = arith.constant 6.000000e+00 : f32
    %lt3A_74 = vector.broadcast %lt3A : f32 to vector<1x4096xf32>
    %lt3A_75 = arith.cmpf olt, %sqrt3A, %lt3A_74 : vector<1x4096xf32>
    %convert_element_type3A_76 = arith.extui %lt3A_75 : vector<1x4096xi1> to vector<1x4096xi32>
    %convert_element_type3A_77 = arith.sitofp %convert_element_type3A_76 : vector<1x4096xi32> to vector<1x4096xf32>
    %mul3A_78 = arith.mulf %mul3A_73, %convert_element_type3A_77 : vector<1x4096xf32>
    %get3A_79 = arith.constant 0 : index
    %get3A_80 = arith.constant 0 : index
    %get3A_81 = arith.constant 0 : index
    %get3A_82 = vector.load %arg6[%get3A_79, %get3A_80, %get3A_81] : memref<1x1x4096xf32, #tpu.memory_space<vmem>>, vector<1x1x4096xf32>
    %get3A_83 = vector.shape_cast %get3A_82 : vector<1x1x4096xf32> to vector<1x4096xf32>
    %mul3A_84 = arith.mulf %mul3A_78, %get3A_83 : vector<1x4096xf32>
    %get3A_85 = arith.constant 0 : index
    %get3A_86 = arith.constant 0 : index
    %get3A_87 = arith.constant 0 : index
    %get3A_88 = vector.load %arg4[%get3A_85, %get3A_86, %get3A_87] : memref<1x1x12288xi32, #tpu.memory_space<vmem>>, vector<1x1x12288xi32>
    %get3A_89 = vector.shape_cast %get3A_88 : vector<1x1x12288xi32> to vector<1x12288xi32>
    %eq3A_90 = vector.broadcast %get3A_89 : vector<1x12288xi32> to vector<128x12288xi32>
    %eq3A_91 = arith.cmpi eq, %iota3A, %eq3A_90 : vector<128x12288xi32>
    %convert_element_type3A_92 = arith.extui %eq3A_91 : vector<128x12288xi1> to vector<128x12288xi32>
    %convert_element_type3A_93 = arith.sitofp %convert_element_type3A_92 : vector<128x12288xi32> to vector<128x12288xf32>
    %convert_element_type3A_94 = arith.truncf %convert_element_type3A_93 : vector<128x12288xf32> to vector<128x12288xbf16>
    %get3A_95 = arith.constant 0 : index
    %get3A_96 = arith.constant 0 : index
    %get3A_97 = arith.constant 0 : index
    %get3A_98 = vector.load %arg5[%get3A_95, %get3A_96, %get3A_97] : memref<1x1x12288xi32, #tpu.memory_space<vmem>>, vector<1x1x12288xi32>
    %get3A_99 = vector.shape_cast %get3A_98 : vector<1x1x12288xi32> to vector<1x12288xi32>
    %eq3A_100 = vector.broadcast %get3A_99 : vector<1x12288xi32> to vector<128x12288xi32>
    %eq3A_101 = arith.cmpi eq, %iota3A, %eq3A_100 : vector<128x12288xi32>
    %convert_element_type3A_102 = arith.extui %eq3A_101 : vector<128x12288xi1> to vector<128x12288xi32>
    %convert_element_type3A_103 = arith.sitofp %convert_element_type3A_102 : vector<128x12288xi32> to vector<128x12288xf32>
    %convert_element_type3A_104 = arith.truncf %convert_element_type3A_103 : vector<128x12288xf32> to vector<128x12288xbf16>
    %get3A_105 = arith.constant 0 : index
    %get3A_106 = arith.constant 0 : index
    %get3A_107 = vector.load %arg13[%get3A_105, %get3A_106] : memref<128x12288xbf16, #tpu.memory_space<vmem>>, vector<128x12288xbf16>
    %dot_general3A_108 = arith.constant dense<0.000000e+00> : vector<16x12288xf32>
    %dot_general3A_109 = tpu.matmul %concatenate3A_7, %get3A_107, %dot_general3A_108 {dimension_numbers = #tpu.dot_dimension_numbers<[1], [0], [0], [1], [0, 0, 1, 1], [], []>, transpose_lhs_hint = false} : vector<16x128xbf16>, vector<128x12288xbf16>, vector<16x12288xf32> -> vector<16x12288xf32>
    %slice3A_110 = vector.extract_strided_slice %dot_general3A_109 {offsets = [0, 0], sizes = [8, 12288], strides = [1, 1]} : vector<16x12288xf32> to vector<8x12288xf32>
    %slice3A_111 = vector.extract_strided_slice %dot_general3A_109 {offsets = [8, 0], sizes = [8, 12288], strides = [1, 1]} : vector<16x12288xf32> to vector<8x12288xf32>
    %add3A_112 = arith.addf %slice3A_110, %slice3A_111 : vector<8x12288xf32>
    %dot_general3A_113 = arith.constant dense<0.000000e+00> : vector<16x12288xf32>
    %dot_general3A_114 = tpu.matmul %concatenate3A_7, %convert_element_type3A_94, %dot_general3A_113 {dimension_numbers = #tpu.dot_dimension_numbers<[1], [0], [0], [1], [0, 0, 1, 1], [], []>, transpose_lhs_hint = false} : vector<16x128xbf16>, vector<128x12288xbf16>, vector<16x12288xf32> -> vector<16x12288xf32>
    %slice3A_115 = vector.extract_strided_slice %dot_general3A_114 {offsets = [0, 0], sizes = [8, 12288], strides = [1, 1]} : vector<16x12288xf32> to vector<8x12288xf32>
    %slice3A_116 = vector.extract_strided_slice %dot_general3A_114 {offsets = [8, 0], sizes = [8, 12288], strides = [1, 1]} : vector<16x12288xf32> to vector<8x12288xf32>
    %add3A_117 = arith.addf %slice3A_115, %slice3A_116 : vector<8x12288xf32>
    %sub3A_118 = arith.subf %add3A_117, %add3A_112 : vector<8x12288xf32>
    %dot_general3A_119 = arith.constant dense<0.000000e+00> : vector<16x12288xf32>
    %dot_general3A_120 = tpu.matmul %concatenate3A_7, %convert_element_type3A_104, %dot_general3A_119 {dimension_numbers = #tpu.dot_dimension_numbers<[1], [0], [0], [1], [0, 0, 1, 1], [], []>, transpose_lhs_hint = false} : vector<16x128xbf16>, vector<128x12288xbf16>, vector<16x12288xf32> -> vector<16x12288xf32>
    %slice3A_121 = vector.extract_strided_slice %dot_general3A_120 {offsets = [0, 0], sizes = [8, 12288], strides = [1, 1]} : vector<16x12288xf32> to vector<8x12288xf32>
    %slice3A_122 = vector.extract_strided_slice %dot_general3A_120 {offsets = [8, 0], sizes = [8, 12288], strides = [1, 1]} : vector<16x12288xf32> to vector<8x12288xf32>
    %add3A_123 = arith.addf %slice3A_121, %slice3A_122 : vector<8x12288xf32>
    %sub3A_124 = arith.subf %add3A_123, %add3A_112 : vector<8x12288xf32>
    %mul3A_125 = arith.mulf %sub3A_118, %sub3A_118 : vector<8x12288xf32>
    %reduce_sum3A_126 = arith.constant dense<0.000000e+00> : vector<12288xf32>
    %reduce_sum3A_127 = vector.multi_reduction <add>, %mul3A_125, %reduce_sum3A_126 [0] : vector<8x12288xf32> to vector<12288xf32>
    %broadcast_in_dim3A_128 = vector.shape_cast %reduce_sum3A_127 : vector<12288xf32> to vector<1x12288xf32>
    %add3A_129 = arith.constant 9.99999971E-10 : f32
    %add3A_130 = vector.broadcast %add3A_129 : f32 to vector<1x12288xf32>
    %add3A_131 = arith.addf %broadcast_in_dim3A_128, %add3A_130 : vector<1x12288xf32>
    %sqrt3A_132 = math.sqrt %add3A_131 : vector<1x12288xf32>
    %mul3A_133 = arith.mulf %sub3A_124, %sub3A_124 : vector<8x12288xf32>
    %reduce_sum3A_134 = arith.constant dense<0.000000e+00> : vector<12288xf32>
    %reduce_sum3A_135 = vector.multi_reduction <add>, %mul3A_133, %reduce_sum3A_134 [0] : vector<8x12288xf32> to vector<12288xf32>
    %broadcast_in_dim3A_136 = vector.shape_cast %reduce_sum3A_135 : vector<12288xf32> to vector<1x12288xf32>
    %add3A_137 = arith.constant 9.99999971E-10 : f32
    %add3A_138 = vector.broadcast %add3A_137 : f32 to vector<1x12288xf32>
    %add3A_139 = arith.addf %broadcast_in_dim3A_136, %add3A_138 : vector<1x12288xf32>
    %sqrt3A_140 = math.sqrt %add3A_139 : vector<1x12288xf32>
    %mul3A_141 = arith.mulf %sub3A_118, %sub3A_124 : vector<8x12288xf32>
    %reduce_sum3A_142 = arith.constant dense<0.000000e+00> : vector<12288xf32>
    %reduce_sum3A_143 = vector.multi_reduction <add>, %mul3A_141, %reduce_sum3A_142 [0] : vector<8x12288xf32> to vector<12288xf32>
    %broadcast_in_dim3A_144 = vector.shape_cast %reduce_sum3A_143 : vector<12288xf32> to vector<1x12288xf32>
    %mul3A_145 = arith.mulf %sqrt3A_132, %sqrt3A_140 : vector<1x12288xf32>
    %div3A = arith.divf %broadcast_in_dim3A_144, %mul3A_145 : vector<1x12288xf32>
    %jit3A = arith.constant -0.999998986 : f32
    %jit3A_146 = arith.constant 0.999998986 : f32
    %max3A = vector.broadcast %jit3A : f32 to vector<1x12288xf32>
    %max3A_147 = arith.maximumf %max3A, %div3A : vector<1x12288xf32>
    %min3A = vector.broadcast %jit3A_146 : f32 to vector<1x12288xf32>
    %min3A_148 = arith.minimumf %min3A, %max3A_147 : vector<1x12288xf32>
    %mul3A_149 = arith.mulf %min3A_148, %min3A_148 : vector<1x12288xf32>
    %sub3A_150 = arith.constant 1.000000e+00 : f32
    %sub3A_151 = vector.broadcast %sub3A_150 : f32 to vector<1x12288xf32>
    %sub3A_152 = arith.subf %sub3A_151, %mul3A_149 : vector<1x12288xf32>
    %sqrt3A_153 = math.sqrt %sub3A_152 : vector<1x12288xf32>
    %sub3A_154 = vector.broadcast %sqrt3A_132 : vector<1x12288xf32> to vector<25x12288xf32>
    %sub3A_155 = vector.broadcast %get3A_10 : vector<25x1xf32> to vector<25x12288xf32>
    %sub3A_156 = arith.subf %sub3A_154, %sub3A_155 : vector<25x12288xf32>
    %sub3A_157 = vector.broadcast %sqrt3A_140 : vector<1x12288xf32> to vector<25x12288xf32>
    %sub3A_158 = vector.broadcast %get3A_10 : vector<25x1xf32> to vector<25x12288xf32>
    %sub3A_159 = arith.subf %sub3A_157, %sub3A_158 : vector<25x12288xf32>
    %mul3A_160 = arith.mulf %sub3A_156, %sub3A_156 : vector<25x12288xf32>
    %mul3A_161 = arith.mulf %sub3A_159, %sub3A_159 : vector<25x12288xf32>
    %add3A_162 = arith.addf %mul3A_160, %mul3A_161 : vector<25x12288xf32>
    %mul3A_163 = arith.constant -9.52412414 : f32
    %mul3A_164 = vector.broadcast %mul3A_163 : f32 to vector<25x12288xf32>
    %mul3A_165 = arith.mulf %mul3A_164, %add3A_162 : vector<25x12288xf32>
    %exp3A_166 = math.exp %mul3A_165 : vector<25x12288xf32>
    %convert_element_type3A_167 = arith.truncf %exp3A_166 : vector<25x12288xf32> to vector<25x12288xbf16>
    %get3A_168 = arith.constant 0 : index
    %get3A_169 = arith.constant 0 : index
    %get3A_170 = vector.load %arg9[%get3A_168, %get3A_169] : memref<10x1xf32, #tpu.memory_space<vmem>>, vector<10x1xf32>
    %mul3A_171 = vector.broadcast %get3A_170 : vector<10x1xf32> to vector<10x12288xf32>
    %mul3A_172 = vector.broadcast %min3A_148 : vector<1x12288xf32> to vector<10x12288xf32>
    %mul3A_173 = arith.mulf %mul3A_171, %mul3A_172 : vector<10x12288xf32>
    %add3A_174 = arith.constant 1.000000e+00 : f32
    %add3A_175 = vector.broadcast %add3A_174 : f32 to vector<10x12288xf32>
    %add3A_176 = arith.addf %add3A_175, %mul3A_173 : vector<10x12288xf32>
    %get3A_177 = arith.constant 0 : index
    %get3A_178 = arith.constant 0 : index
    %get3A_179 = vector.load %arg10[%get3A_177, %get3A_178] : memref<10x1xf32, #tpu.memory_space<vmem>>, vector<10x1xf32>
    %mul3A_180 = vector.broadcast %get3A_179 : vector<10x1xf32> to vector<10x12288xf32>
    %mul3A_181 = vector.broadcast %sqrt3A_153 : vector<1x12288xf32> to vector<10x12288xf32>
    %mul3A_182 = arith.mulf %mul3A_180, %mul3A_181 : vector<10x12288xf32>
    %add3A_183 = arith.addf %add3A_176, %mul3A_182 : vector<10x12288xf32>
    %mul3A_184 = arith.mulf %add3A_183, %add3A_183 : vector<10x12288xf32>
    %mul3A_185 = arith.mulf %mul3A_184, %mul3A_184 : vector<10x12288xf32>
    %mul3A_186 = arith.mulf %mul3A_185, %mul3A_185 : vector<10x12288xf32>
    %mul3A_187 = arith.constant 7.812500e-03 : f32
    %mul3A_188 = vector.broadcast %mul3A_187 : f32 to vector<10x12288xf32>
    %mul3A_189 = arith.mulf %mul3A_186, %mul3A_188 : vector<10x12288xf32>
    %convert_element_type3A_190 = arith.truncf %mul3A_189 : vector<10x12288xf32> to vector<10x12288xbf16>
    %concatenate3A_191 = tpu.concatenate %sqrt3A_132, %sqrt3A_140 in 0 : vector<1x12288xf32>, vector<1x12288xf32> -> vector<2x12288xf32>
    %mul3A_192 = arith.constant 0.52359879 : f32
    %mul3A_193 = vector.broadcast %mul3A_192 : f32 to vector<2x12288xf32>
    %mul3A_194 = arith.mulf %concatenate3A_191, %mul3A_193 : vector<2x12288xf32>
    %cos3A_195 = math.cos %mul3A_194 : vector<2x12288xf32>
    %add3A_196 = arith.constant 1.000000e+00 : f32
    %add3A_197 = vector.broadcast %add3A_196 : f32 to vector<2x12288xf32>
    %add3A_198 = arith.addf %cos3A_195, %add3A_197 : vector<2x12288xf32>
    %mul3A_199 = arith.constant 5.000000e-01 : f32
    %mul3A_200 = vector.broadcast %mul3A_199 : f32 to vector<2x12288xf32>
    %mul3A_201 = arith.mulf %mul3A_200, %add3A_198 : vector<2x12288xf32>
    %lt3A_202 = arith.constant 6.000000e+00 : f32
    %lt3A_203 = vector.broadcast %lt3A_202 : f32 to vector<2x12288xf32>
    %lt3A_204 = arith.cmpf olt, %concatenate3A_191, %lt3A_203 : vector<2x12288xf32>
    %convert_element_type3A_205 = arith.extui %lt3A_204 : vector<2x12288xi1> to vector<2x12288xi32>
    %convert_element_type3A_206 = arith.sitofp %convert_element_type3A_205 : vector<2x12288xi32> to vector<2x12288xf32>
    %mul3A_207 = arith.mulf %mul3A_201, %convert_element_type3A_206 : vector<2x12288xf32>
    %slice3A_208 = vector.extract_strided_slice %mul3A_207 {offsets = [0, 0], sizes = [1, 12288], strides = [1, 1]} : vector<2x12288xf32> to vector<1x12288xf32>
    %slice3A_209 = vector.extract_strided_slice %mul3A_207 {offsets = [1, 0], sizes = [1, 12288], strides = [1, 1]} : vector<2x12288xf32> to vector<1x12288xf32>
    %mul3A_210 = arith.mulf %slice3A_208, %slice3A_209 : vector<1x12288xf32>
    %get3A_211 = arith.constant 0 : index
    %get3A_212 = arith.constant 0 : index
    %get3A_213 = arith.constant 0 : index
    %get3A_214 = vector.load %arg7[%get3A_211, %get3A_212, %get3A_213] : memref<1x1x12288xf32, #tpu.memory_space<vmem>>, vector<1x1x12288xf32>
    %get3A_215 = vector.shape_cast %get3A_214 : vector<1x1x12288xf32> to vector<1x12288xf32>
    %mul3A_216 = arith.mulf %mul3A_210, %get3A_215 : vector<1x12288xf32>
    %get3A_217 = arith.constant 0 : index
    %get3A_218 = arith.constant 0 : index
    %get3A_219 = vector.load %arg11[%get3A_217, %get3A_218] : memref<250x25xf32, #tpu.memory_space<vmem>>, vector<250x25xf32>
    %convert_element_type3A_220 = arith.truncf %get3A_219 : vector<250x25xf32> to vector<250x25xbf16>
    %get3A_221 = arith.constant 0 : index
    %get3A_222 = arith.constant 0 : index
    %get3A_223 = vector.load %arg12[%get3A_221, %get3A_222] : memref<250x10xf32, #tpu.memory_space<vmem>>, vector<250x10xf32>
    %convert_element_type3A_224 = arith.truncf %get3A_223 : vector<250x10xf32> to vector<250x10xbf16>
    %get3A_225 = arith.constant 0 : index
    %get3A_226 = arith.constant 0 : index
    %get3A_227 = vector.load %arg15[%get3A_225, %get3A_226] : memref<12288x128xbf16, #tpu.memory_space<vmem>>, vector<12288x128xbf16>
    %get3A_228 = arith.constant 0 : index
    %get3A_229 = arith.constant 0 : index
    %get3A_230 = vector.load %arg16[%get3A_228, %get3A_229] : memref<4096x128xbf16, #tpu.memory_space<vmem>>, vector<4096x128xbf16>
    %get3A_231 = arith.constant 0 : index
    %get3A_232 = arith.constant 0 : index
    %get3A_233 = vector.load %arg1[%get3A_231, %get3A_232] : memref<128x128xf32, #tpu.memory_space<vmem>>, vector<128x128xf32>
    %transpose3A_234 = tpu.transpose %get3A_233, [1, 0] : vector<128x128xf32> -> vector<128x128xf32>
    %get3A_235 = arith.constant 0 : index
    %get3A_236 = arith.constant 0 : index
    %get3A_237 = arith.constant 0 : index
    %get3A_238 = vector.load %arg17[%get3A_235, %get3A_236, %get3A_237] : memref<3x25x128xf32, #tpu.memory_space<vmem>>, vector<1x25x128xf32>
    %get3A_239 = vector.shape_cast %get3A_238 : vector<1x25x128xf32> to vector<25x128xf32>
    %transpose3A_240 = tpu.transpose %get3A_239, [1, 0] : vector<25x128xf32> -> vector<128x25xf32>
    %convert_element_type3A_241 = arith.truncf %transpose3A_240 : vector<128x25xf32> to vector<128x25xbf16>
    %get3A_242 = arith.constant 0 : index
    %get3A_243 = arith.constant 0 : index
    %get3A_244 = arith.constant 0 : index
    %get3A_245 = vector.load %arg19[%get3A_242, %get3A_243, %get3A_244] : memref<3x128x128xf32, #tpu.memory_space<vmem>>, vector<1x128x128xf32>
    %get3A_246 = vector.shape_cast %get3A_245 : vector<1x128x128xf32> to vector<128x128xf32>
    %transpose3A_247 = tpu.transpose %get3A_246, [1, 0] : vector<128x128xf32> -> vector<128x128xf32>
    %convert_element_type3A_248 = arith.truncf %transpose3A_247 : vector<128x128xf32> to vector<128x128xbf16>
    %get3A_249 = arith.constant 0 : index
    %get3A_250 = arith.constant 0 : index
    %get3A_251 = arith.constant 0 : index
    %get3A_252 = vector.load %arg21[%get3A_249, %get3A_250, %get3A_251] : memref<3x250x128xf32, #tpu.memory_space<vmem>>, vector<1x250x128xf32>
    %get3A_253 = vector.shape_cast %get3A_252 : vector<1x250x128xf32> to vector<250x128xf32>
    %transpose3A_254 = tpu.transpose %get3A_253, [1, 0] : vector<250x128xf32> -> vector<128x250xf32>
    %convert_element_type3A_255 = arith.truncf %transpose3A_254 : vector<128x250xf32> to vector<128x250xbf16>
    %get3A_256 = arith.constant 0 : index
    %get3A_257 = arith.constant 0 : index
    %get3A_258 = arith.constant 0 : index
    %get3A_259 = vector.load %arg23[%get3A_256, %get3A_257, %get3A_258] : memref<3x128x128xf32, #tpu.memory_space<vmem>>, vector<1x128x128xf32>
    %get3A_260 = vector.shape_cast %get3A_259 : vector<1x128x128xf32> to vector<128x128xf32>
    %transpose3A_261 = tpu.transpose %get3A_260, [1, 0] : vector<128x128xf32> -> vector<128x128xf32>
    %convert_element_type3A_262 = arith.truncf %transpose3A_261 : vector<128x128xf32> to vector<128x128xbf16>
    %get3A_263 = arith.constant 0 : index
    %get3A_264 = arith.constant 0 : index
    %get3A_265 = arith.constant 0 : index
    %get3A_266 = vector.load %arg25[%get3A_263, %get3A_264, %get3A_265] : memref<3x128x128xf32, #tpu.memory_space<vmem>>, vector<1x128x128xf32>
    %get3A_267 = vector.shape_cast %get3A_266 : vector<1x128x128xf32> to vector<128x128xf32>
    %transpose3A_268 = tpu.transpose %get3A_267, [1, 0] : vector<128x128xf32> -> vector<128x128xf32>
    %get3A_269 = arith.constant 0 : index
    %get3A_270 = arith.constant 0 : index
    %get3A_271 = arith.constant 0 : index
    %get3A_272 = vector.load %arg26[%get3A_269, %get3A_270, %get3A_271] : memref<3x128x128xf32, #tpu.memory_space<vmem>>, vector<1x128x128xf32>
    %get3A_273 = vector.shape_cast %get3A_272 : vector<1x128x128xf32> to vector<128x128xf32>
    %transpose3A_274 = tpu.transpose %get3A_273, [1, 0] : vector<128x128xf32> -> vector<128x128xf32>
    %get3A_275 = arith.constant 0 : index
    %get3A_276 = arith.constant 0 : index
    %get3A_277 = arith.constant 0 : index
    %get3A_278 = vector.load %arg28[%get3A_275, %get3A_276, %get3A_277] : memref<3x128x128xf32, #tpu.memory_space<vmem>>, vector<1x128x128xf32>
    %get3A_279 = vector.shape_cast %get3A_278 : vector<1x128x128xf32> to vector<128x128xf32>
    %transpose3A_280 = tpu.transpose %get3A_279, [1, 0] : vector<128x128xf32> -> vector<128x128xf32>
    %dot_general3A_281 = arith.constant dense<0.000000e+00> : vector<128x128xf32>
    %dot_general3A_282 = tpu.matmul %transpose3A_268, %transpose3A_234, %dot_general3A_281 {dimension_numbers = #tpu.dot_dimension_numbers<[1], [0], [0], [1], [0, 0, 1, 1], [], []>, transpose_lhs_hint = false} : vector<128x128xf32>, vector<128x128xf32>, vector<128x128xf32> -> vector<128x128xf32>
    %convert_element_type3A_283 = arith.truncf %dot_general3A_282 : vector<128x128xf32> to vector<128x128xbf16>
    %dot_general3A_284 = arith.constant dense<0.000000e+00> : vector<128x4096xf32>
    %dot_general3A_285 = tpu.matmul %convert_element_type3A_241, %convert_element_type3A_64, %dot_general3A_284 {dimension_numbers = #tpu.dot_dimension_numbers<[1], [0], [0], [1], [0, 0, 1, 1], [], []>, transpose_lhs_hint = false} : vector<128x25xbf16>, vector<25x4096xbf16>, vector<128x4096xf32> -> vector<128x4096xf32>
    %slice3A_286 = vector.extract_strided_slice %transpose3A_30 {offsets = [0, 0], sizes = [128, 1], strides = [1, 1]} : vector<128x18xf32> to vector<128x1xf32>
    %add3A_287 = vector.broadcast %slice3A_286 : vector<128x1xf32> to vector<128x4096xf32>
    %add3A_288 = arith.addf %dot_general3A_285, %add3A_287 : vector<128x4096xf32>
    %custom_jvp_call3A = arith.constant 0.000000e+00 : f32
    %max3A_289 = vector.broadcast %custom_jvp_call3A : f32 to vector<128x4096xf32>
    %max3A_290 = arith.maximumf %add3A_288, %max3A_289 : vector<128x4096xf32>
    %sub3A_291 = vector.broadcast %custom_jvp_call3A : f32 to vector<128x4096xf32>
    %sub3A_292 = arith.subf %add3A_288, %sub3A_291 : vector<128x4096xf32>
    %ne3A = arith.cmpf one, %sub3A_292, %sub3A_292 : vector<128x4096xf32>
    %add3A_293 = vector.broadcast %custom_jvp_call3A : f32 to vector<128x4096xf32>
    %add3A_294 = arith.addf %add3A_288, %add3A_293 : vector<128x4096xf32>
    %abs3A = math.absf %sub3A_292 : vector<128x4096xf32>
    %neg3A = arith.constant 0.000000e+00 : f32
    %neg3A_295 = vector.broadcast %neg3A : f32 to vector<128x4096xf32>
    %neg3A_296 = arith.subf %neg3A_295, %abs3A : vector<128x4096xf32>
    %exp3A_297 = math.exp %neg3A_296 : vector<128x4096xf32>
    %log1p3A = math.log1p %exp3A_297 : vector<128x4096xf32>
    %add3A_298 = arith.addf %max3A_290, %log1p3A : vector<128x4096xf32>
    %select_n3A = arith.select %ne3A, %add3A_294, %add3A_298 : vector<128x4096xi1>, vector<128x4096xf32>
    %sub3A_299 = arith.constant 0.693147182 : f32
    %sub3A_300 = vector.broadcast %sub3A_299 : f32 to vector<128x4096xf32>
    %sub3A_301 = arith.subf %select_n3A, %sub3A_300 : vector<128x4096xf32>
    %convert_element_type3A_302 = arith.truncf %sub3A_301 : vector<128x4096xf32> to vector<128x4096xbf16>
    %dot_general3A_303 = arith.constant dense<0.000000e+00> : vector<128x4096xf32>
    %dot_general3A_304 = tpu.matmul %convert_element_type3A_248, %convert_element_type3A_302, %dot_general3A_303 {dimension_numbers = #tpu.dot_dimension_numbers<[1], [0], [0], [1], [0, 0, 1, 1], [], []>, transpose_lhs_hint = false} : vector<128x128xbf16>, vector<128x4096xbf16>, vector<128x4096xf32> -> vector<128x4096xf32>
    %slice3A_305 = vector.extract_strided_slice %transpose3A_30 {offsets = [0, 3], sizes = [128, 1], strides = [1, 1]} : vector<128x18xf32> to vector<128x1xf32>
    %add3A_306 = vector.broadcast %slice3A_305 : vector<128x1xf32> to vector<128x4096xf32>
    %add3A_307 = arith.addf %dot_general3A_304, %add3A_306 : vector<128x4096xf32>
    %mul3A_308 = vector.broadcast %mul3A_84 : vector<1x4096xf32> to vector<128x4096xf32>
    %mul3A_309 = arith.mulf %add3A_307, %mul3A_308 : vector<128x4096xf32>
    %dot_general3A_310 = arith.constant dense<0.000000e+00> : vector<128x4096xf32>
    %dot_general3A_311 = tpu.matmul %convert_element_type3A_283, %convert_element_type3A_39, %dot_general3A_310 {dimension_numbers = #tpu.dot_dimension_numbers<[1], [0], [0], [1], [0, 0, 1, 1], [], []>, transpose_lhs_hint = false} : vector<128x128xbf16>, vector<128x4096xbf16>, vector<128x4096xf32> -> vector<128x4096xf32>
    %mul3A_312 = arith.mulf %dot_general3A_311, %mul3A_309 : vector<128x4096xf32>
    %convert_element_type3A_313 = arith.truncf %mul3A_312 : vector<128x4096xf32> to vector<128x4096xbf16>
    %dot_general3A_314 = arith.constant dense<0.000000e+00> : vector<128x128xf32>
    %dot_general3A_315 = tpu.matmul %convert_element_type3A_313, %get3A_230, %dot_general3A_314 {dimension_numbers = #tpu.dot_dimension_numbers<[1], [0], [0], [1], [0, 0, 1, 1], [], []>, transpose_lhs_hint = false} : vector<128x4096xbf16>, vector<4096x128xbf16>, vector<128x128xf32> -> vector<128x128xf32>
    %slice3A_316 = vector.extract_strided_slice %convert_element_type3A_167 {offsets = [0, 0], sizes = [25, 6144], strides = [1, 1]} : vector<25x12288xbf16> to vector<25x6144xbf16>
    %dot_general3A_317 = arith.constant dense<0.000000e+00> : vector<250x6144xf32>
    %dot_general3A_318 = tpu.matmul %convert_element_type3A_220, %slice3A_316, %dot_general3A_317 {dimension_numbers = #tpu.dot_dimension_numbers<[1], [0], [0], [1], [0, 0, 1, 1], [], []>, transpose_lhs_hint = false} : vector<250x25xbf16>, vector<25x6144xbf16>, vector<250x6144xf32> -> vector<250x6144xf32>
    %slice3A_319 = vector.extract_strided_slice %convert_element_type3A_190 {offsets = [0, 0], sizes = [10, 6144], strides = [1, 1]} : vector<10x12288xbf16> to vector<10x6144xbf16>
    %dot_general3A_320 = arith.constant dense<0.000000e+00> : vector<250x6144xf32>
    %dot_general3A_321 = tpu.matmul %convert_element_type3A_224, %slice3A_319, %dot_general3A_320 {dimension_numbers = #tpu.dot_dimension_numbers<[1], [0], [0], [1], [0, 0, 1, 1], [], []>, transpose_lhs_hint = false} : vector<250x10xbf16>, vector<10x6144xbf16>, vector<250x6144xf32> -> vector<250x6144xf32>
    %mul3A_322 = arith.mulf %dot_general3A_318, %dot_general3A_321 : vector<250x6144xf32>
    %convert_element_type3A_323 = arith.truncf %mul3A_322 : vector<250x6144xf32> to vector<250x6144xbf16>
    %dot_general3A_324 = arith.constant dense<0.000000e+00> : vector<128x6144xf32>
    %dot_general3A_325 = tpu.matmul %convert_element_type3A_255, %convert_element_type3A_323, %dot_general3A_324 {dimension_numbers = #tpu.dot_dimension_numbers<[1], [0], [0], [1], [0, 0, 1, 1], [], []>, transpose_lhs_hint = false} : vector<128x250xbf16>, vector<250x6144xbf16>, vector<128x6144xf32> -> vector<128x6144xf32>
    %slice3A_326 = vector.extract_strided_slice %transpose3A_30 {offsets = [0, 6], sizes = [128, 1], strides = [1, 1]} : vector<128x18xf32> to vector<128x1xf32>
    %add3A_327 = vector.broadcast %slice3A_326 : vector<128x1xf32> to vector<128x6144xf32>
    %add3A_328 = arith.addf %dot_general3A_325, %add3A_327 : vector<128x6144xf32>
    %custom_jvp_call3A_329 = arith.constant 0.000000e+00 : f32
    %max3A_330 = vector.broadcast %custom_jvp_call3A_329 : f32 to vector<128x6144xf32>
    %max3A_331 = arith.maximumf %add3A_328, %max3A_330 : vector<128x6144xf32>
    %sub3A_332 = vector.broadcast %custom_jvp_call3A_329 : f32 to vector<128x6144xf32>
    %sub3A_333 = arith.subf %add3A_328, %sub3A_332 : vector<128x6144xf32>
    %ne3A_334 = arith.cmpf one, %sub3A_333, %sub3A_333 : vector<128x6144xf32>
    %add3A_335 = vector.broadcast %custom_jvp_call3A_329 : f32 to vector<128x6144xf32>
    %add3A_336 = arith.addf %add3A_328, %add3A_335 : vector<128x6144xf32>
    %abs3A_337 = math.absf %sub3A_333 : vector<128x6144xf32>
    %neg3A_338 = arith.constant 0.000000e+00 : f32
    %neg3A_339 = vector.broadcast %neg3A_338 : f32 to vector<128x6144xf32>
    %neg3A_340 = arith.subf %neg3A_339, %abs3A_337 : vector<128x6144xf32>
    %exp3A_341 = math.exp %neg3A_340 : vector<128x6144xf32>
    %log1p3A_342 = math.log1p %exp3A_341 : vector<128x6144xf32>
    %add3A_343 = arith.addf %max3A_331, %log1p3A_342 : vector<128x6144xf32>
    %select_n3A_344 = arith.select %ne3A_334, %add3A_336, %add3A_343 : vector<128x6144xi1>, vector<128x6144xf32>
    %sub3A_345 = arith.constant 0.693147182 : f32
    %sub3A_346 = vector.broadcast %sub3A_345 : f32 to vector<128x6144xf32>
    %sub3A_347 = arith.subf %select_n3A_344, %sub3A_346 : vector<128x6144xf32>
    %convert_element_type3A_348 = arith.truncf %sub3A_347 : vector<128x6144xf32> to vector<128x6144xbf16>
    %dot_general3A_349 = arith.constant dense<0.000000e+00> : vector<128x6144xf32>
    %dot_general3A_350 = tpu.matmul %convert_element_type3A_262, %convert_element_type3A_348, %dot_general3A_349 {dimension_numbers = #tpu.dot_dimension_numbers<[1], [0], [0], [1], [0, 0, 1, 1], [], []>, transpose_lhs_hint = false} : vector<128x128xbf16>, vector<128x6144xbf16>, vector<128x6144xf32> -> vector<128x6144xf32>
    %slice3A_351 = vector.extract_strided_slice %transpose3A_30 {offsets = [0, 9], sizes = [128, 1], strides = [1, 1]} : vector<128x18xf32> to vector<128x1xf32>
    %add3A_352 = vector.broadcast %slice3A_351 : vector<128x1xf32> to vector<128x6144xf32>
    %add3A_353 = arith.addf %dot_general3A_350, %add3A_352 : vector<128x6144xf32>
    %slice3A_354 = vector.extract_strided_slice %mul3A_216 {offsets = [0, 0], sizes = [1, 6144], strides = [1, 1]} : vector<1x12288xf32> to vector<1x6144xf32>
    %mul3A_355 = vector.broadcast %slice3A_354 : vector<1x6144xf32> to vector<128x6144xf32>
    %mul3A_356 = arith.mulf %add3A_353, %mul3A_355 : vector<128x6144xf32>
    %slice3A_357 = vector.extract_strided_slice %convert_element_type3A_94 {offsets = [0, 0], sizes = [128, 6144], strides = [1, 1]} : vector<128x12288xbf16> to vector<128x6144xbf16>
    %dot_general3A_358 = arith.constant dense<0.000000e+00> : vector<128x6144xf32>
    %dot_general3A_359 = tpu.matmul %convert_element_type3A_283, %slice3A_357, %dot_general3A_358 {dimension_numbers = #tpu.dot_dimension_numbers<[1], [0], [0], [1], [0, 0, 1, 1], [], []>, transpose_lhs_hint = false} : vector<128x128xbf16>, vector<128x6144xbf16>, vector<128x6144xf32> -> vector<128x6144xf32>
    %slice3A_360 = vector.extract_strided_slice %convert_element_type3A_104 {offsets = [0, 0], sizes = [128, 6144], strides = [1, 1]} : vector<128x12288xbf16> to vector<128x6144xbf16>
    %dot_general3A_361 = arith.constant dense<0.000000e+00> : vector<128x6144xf32>
    %dot_general3A_362 = tpu.matmul %convert_element_type3A_283, %slice3A_360, %dot_general3A_361 {dimension_numbers = #tpu.dot_dimension_numbers<[1], [0], [0], [1], [0, 0, 1, 1], [], []>, transpose_lhs_hint = false} : vector<128x128xbf16>, vector<128x6144xbf16>, vector<128x6144xf32> -> vector<128x6144xf32>
    %mul3A_363 = arith.mulf %dot_general3A_359, %dot_general3A_362 : vector<128x6144xf32>
    %mul3A_364 = arith.mulf %mul3A_363, %mul3A_356 : vector<128x6144xf32>
    %convert_element_type3A_365 = arith.truncf %mul3A_364 : vector<128x6144xf32> to vector<128x6144xbf16>
    %slice3A_366 = vector.extract_strided_slice %get3A_227 {offsets = [0, 0], sizes = [6144, 128], strides = [1, 1]} : vector<12288x128xbf16> to vector<6144x128xbf16>
    %dot_general3A_367 = arith.constant dense<0.000000e+00> : vector<128x128xf32>
    %dot_general3A_368 = tpu.matmul %convert_element_type3A_365, %slice3A_366, %dot_general3A_367 {dimension_numbers = #tpu.dot_dimension_numbers<[1], [0], [0], [1], [0, 0, 1, 1], [], []>, transpose_lhs_hint = false} : vector<128x6144xbf16>, vector<6144x128xbf16>, vector<128x128xf32> -> vector<128x128xf32>
    %add3A_369 = arith.addf %dot_general3A_315, %dot_general3A_368 : vector<128x128xf32>
    %slice3A_370 = vector.extract_strided_slice %convert_element_type3A_167 {offsets = [0, 6144], sizes = [25, 6144], strides = [1, 1]} : vector<25x12288xbf16> to vector<25x6144xbf16>
    %dot_general3A_371 = arith.constant dense<0.000000e+00> : vector<250x6144xf32>
    %dot_general3A_372 = tpu.matmul %convert_element_type3A_220, %slice3A_370, %dot_general3A_371 {dimension_numbers = #tpu.dot_dimension_numbers<[1], [0], [0], [1], [0, 0, 1, 1], [], []>, transpose_lhs_hint = false} : vector<250x25xbf16>, vector<25x6144xbf16>, vector<250x6144xf32> -> vector<250x6144xf32>
    %slice3A_373 = vector.extract_strided_slice %convert_element_type3A_190 {offsets = [0, 6144], sizes = [10, 6144], strides = [1, 1]} : vector<10x12288xbf16> to vector<10x6144xbf16>
    %dot_general3A_374 = arith.constant dense<0.000000e+00> : vector<250x6144xf32>
    %dot_general3A_375 = tpu.matmul %convert_element_type3A_224, %slice3A_373, %dot_general3A_374 {dimension_numbers = #tpu.dot_dimension_numbers<[1], [0], [0], [1], [0, 0, 1, 1], [], []>, transpose_lhs_hint = false} : vector<250x10xbf16>, vector<10x6144xbf16>, vector<250x6144xf32> -> vector<250x6144xf32>
    %mul3A_376 = arith.mulf %dot_general3A_372, %dot_general3A_375 : vector<250x6144xf32>
    %convert_element_type3A_377 = arith.truncf %mul3A_376 : vector<250x6144xf32> to vector<250x6144xbf16>
    %dot_general3A_378 = arith.constant dense<0.000000e+00> : vector<128x6144xf32>
    %dot_general3A_379 = tpu.matmul %convert_element_type3A_255, %convert_element_type3A_377, %dot_general3A_378 {dimension_numbers = #tpu.dot_dimension_numbers<[1], [0], [0], [1], [0, 0, 1, 1], [], []>, transpose_lhs_hint = false} : vector<128x250xbf16>, vector<250x6144xbf16>, vector<128x6144xf32> -> vector<128x6144xf32>
    %slice3A_380 = vector.extract_strided_slice %transpose3A_30 {offsets = [0, 6], sizes = [128, 1], strides = [1, 1]} : vector<128x18xf32> to vector<128x1xf32>
    %add3A_381 = vector.broadcast %slice3A_380 : vector<128x1xf32> to vector<128x6144xf32>
    %add3A_382 = arith.addf %dot_general3A_379, %add3A_381 : vector<128x6144xf32>
    %custom_jvp_call3A_383 = arith.constant 0.000000e+00 : f32
    %max3A_384 = vector.broadcast %custom_jvp_call3A_383 : f32 to vector<128x6144xf32>
    %max3A_385 = arith.maximumf %add3A_382, %max3A_384 : vector<128x6144xf32>
    %sub3A_386 = vector.broadcast %custom_jvp_call3A_383 : f32 to vector<128x6144xf32>
    %sub3A_387 = arith.subf %add3A_382, %sub3A_386 : vector<128x6144xf32>
    %ne3A_388 = arith.cmpf one, %sub3A_387, %sub3A_387 : vector<128x6144xf32>
    %add3A_389 = vector.broadcast %custom_jvp_call3A_383 : f32 to vector<128x6144xf32>
    %add3A_390 = arith.addf %add3A_382, %add3A_389 : vector<128x6144xf32>
    %abs3A_391 = math.absf %sub3A_387 : vector<128x6144xf32>
    %neg3A_392 = arith.constant 0.000000e+00 : f32
    %neg3A_393 = vector.broadcast %neg3A_392 : f32 to vector<128x6144xf32>
    %neg3A_394 = arith.subf %neg3A_393, %abs3A_391 : vector<128x6144xf32>
    %exp3A_395 = math.exp %neg3A_394 : vector<128x6144xf32>
    %log1p3A_396 = math.log1p %exp3A_395 : vector<128x6144xf32>
    %add3A_397 = arith.addf %max3A_385, %log1p3A_396 : vector<128x6144xf32>
    %select_n3A_398 = arith.select %ne3A_388, %add3A_390, %add3A_397 : vector<128x6144xi1>, vector<128x6144xf32>
    %sub3A_399 = arith.constant 0.693147182 : f32
    %sub3A_400 = vector.broadcast %sub3A_399 : f32 to vector<128x6144xf32>
    %sub3A_401 = arith.subf %select_n3A_398, %sub3A_400 : vector<128x6144xf32>
    %convert_element_type3A_402 = arith.truncf %sub3A_401 : vector<128x6144xf32> to vector<128x6144xbf16>
    %dot_general3A_403 = arith.constant dense<0.000000e+00> : vector<128x6144xf32>
    %dot_general3A_404 = tpu.matmul %convert_element_type3A_262, %convert_element_type3A_402, %dot_general3A_403 {dimension_numbers = #tpu.dot_dimension_numbers<[1], [0], [0], [1], [0, 0, 1, 1], [], []>, transpose_lhs_hint = false} : vector<128x128xbf16>, vector<128x6144xbf16>, vector<128x6144xf32> -> vector<128x6144xf32>
    %slice3A_405 = vector.extract_strided_slice %transpose3A_30 {offsets = [0, 9], sizes = [128, 1], strides = [1, 1]} : vector<128x18xf32> to vector<128x1xf32>
    %add3A_406 = vector.broadcast %slice3A_405 : vector<128x1xf32> to vector<128x6144xf32>
    %add3A_407 = arith.addf %dot_general3A_404, %add3A_406 : vector<128x6144xf32>
    %slice3A_408 = vector.extract_strided_slice %mul3A_216 {offsets = [0, 6144], sizes = [1, 6144], strides = [1, 1]} : vector<1x12288xf32> to vector<1x6144xf32>
    %mul3A_409 = vector.broadcast %slice3A_408 : vector<1x6144xf32> to vector<128x6144xf32>
    %mul3A_410 = arith.mulf %add3A_407, %mul3A_409 : vector<128x6144xf32>
    %slice3A_411 = vector.extract_strided_slice %convert_element_type3A_94 {offsets = [0, 6144], sizes = [128, 6144], strides = [1, 1]} : vector<128x12288xbf16> to vector<128x6144xbf16>
    %dot_general3A_412 = arith.constant dense<0.000000e+00> : vector<128x6144xf32>
    %dot_general3A_413 = tpu.matmul %convert_element_type3A_283, %slice3A_411, %dot_general3A_412 {dimension_numbers = #tpu.dot_dimension_numbers<[1], [0], [0], [1], [0, 0, 1, 1], [], []>, transpose_lhs_hint = false} : vector<128x128xbf16>, vector<128x6144xbf16>, vector<128x6144xf32> -> vector<128x6144xf32>
    %slice3A_414 = vector.extract_strided_slice %convert_element_type3A_104 {offsets = [0, 6144], sizes = [128, 6144], strides = [1, 1]} : vector<128x12288xbf16> to vector<128x6144xbf16>
    %dot_general3A_415 = arith.constant dense<0.000000e+00> : vector<128x6144xf32>
    %dot_general3A_416 = tpu.matmul %convert_element_type3A_283, %slice3A_414, %dot_general3A_415 {dimension_numbers = #tpu.dot_dimension_numbers<[1], [0], [0], [1], [0, 0, 1, 1], [], []>, transpose_lhs_hint = false} : vector<128x128xbf16>, vector<128x6144xbf16>, vector<128x6144xf32> -> vector<128x6144xf32>
    %mul3A_417 = arith.mulf %dot_general3A_413, %dot_general3A_416 : vector<128x6144xf32>
    %mul3A_418 = arith.mulf %mul3A_417, %mul3A_410 : vector<128x6144xf32>
    %convert_element_type3A_419 = arith.truncf %mul3A_418 : vector<128x6144xf32> to vector<128x6144xbf16>
    %slice3A_420 = vector.extract_strided_slice %get3A_227 {offsets = [6144, 0], sizes = [6144, 128], strides = [1, 1]} : vector<12288x128xbf16> to vector<6144x128xbf16>
    %dot_general3A_421 = arith.constant dense<0.000000e+00> : vector<128x128xf32>
    %dot_general3A_422 = tpu.matmul %convert_element_type3A_419, %slice3A_420, %dot_general3A_421 {dimension_numbers = #tpu.dot_dimension_numbers<[1], [0], [0], [1], [0, 0, 1, 1], [], []>, transpose_lhs_hint = false} : vector<128x6144xbf16>, vector<6144x128xbf16>, vector<128x128xf32> -> vector<128x128xf32>
    %add3A_423 = arith.addf %add3A_369, %dot_general3A_422 : vector<128x128xf32>
    %dot_general3A_424 = arith.constant dense<0.000000e+00> : vector<128x128xf32>
    %dot_general3A_425 = tpu.matmul %transpose3A_274, %add3A_423, %dot_general3A_424 {dimension_numbers = #tpu.dot_dimension_numbers<[1], [0], [0], [1], [0, 0, 1, 1], [], []>, transpose_lhs_hint = false} : vector<128x128xf32>, vector<128x128xf32>, vector<128x128xf32> -> vector<128x128xf32>
    %slice3A_426 = vector.extract_strided_slice %transpose3A_30 {offsets = [0, 12], sizes = [128, 1], strides = [1, 1]} : vector<128x18xf32> to vector<128x1xf32>
    %add3A_427 = vector.broadcast %slice3A_426 : vector<128x1xf32> to vector<128x128xf32>
    %add3A_428 = arith.addf %dot_general3A_425, %add3A_427 : vector<128x128xf32>
    %custom_jvp_call3A_429 = arith.constant 0.000000e+00 : f32
    %max3A_430 = vector.broadcast %custom_jvp_call3A_429 : f32 to vector<128x128xf32>
    %max3A_431 = arith.maximumf %add3A_428, %max3A_430 : vector<128x128xf32>
    %sub3A_432 = vector.broadcast %custom_jvp_call3A_429 : f32 to vector<128x128xf32>
    %sub3A_433 = arith.subf %add3A_428, %sub3A_432 : vector<128x128xf32>
    %ne3A_434 = arith.cmpf one, %sub3A_433, %sub3A_433 : vector<128x128xf32>
    %add3A_435 = vector.broadcast %custom_jvp_call3A_429 : f32 to vector<128x128xf32>
    %add3A_436 = arith.addf %add3A_428, %add3A_435 : vector<128x128xf32>
    %abs3A_437 = math.absf %sub3A_433 : vector<128x128xf32>
    %neg3A_438 = arith.constant 0.000000e+00 : f32
    %neg3A_439 = vector.broadcast %neg3A_438 : f32 to vector<128x128xf32>
    %neg3A_440 = arith.subf %neg3A_439, %abs3A_437 : vector<128x128xf32>
    %exp3A_441 = math.exp %neg3A_440 : vector<128x128xf32>
    %log1p3A_442 = math.log1p %exp3A_441 : vector<128x128xf32>
    %add3A_443 = arith.addf %max3A_431, %log1p3A_442 : vector<128x128xf32>
    %select_n3A_444 = arith.select %ne3A_434, %add3A_436, %add3A_443 : vector<128x128xi1>, vector<128x128xf32>
    %sub3A_445 = arith.constant 0.693147182 : f32
    %sub3A_446 = vector.broadcast %sub3A_445 : f32 to vector<128x128xf32>
    %sub3A_447 = arith.subf %select_n3A_444, %sub3A_446 : vector<128x128xf32>
    %dot_general3A_448 = arith.constant dense<0.000000e+00> : vector<128x128xf32>
    %dot_general3A_449 = tpu.matmul %transpose3A_280, %sub3A_447, %dot_general3A_448 {dimension_numbers = #tpu.dot_dimension_numbers<[1], [0], [0], [1], [0, 0, 1, 1], [], []>, transpose_lhs_hint = false} : vector<128x128xf32>, vector<128x128xf32>, vector<128x128xf32> -> vector<128x128xf32>
    %add3A_450 = arith.addf %transpose3A_234, %dot_general3A_449 : vector<128x128xf32>
    %slice3A_451 = vector.extract_strided_slice %transpose3A_30 {offsets = [0, 15], sizes = [128, 1], strides = [1, 1]} : vector<128x18xf32> to vector<128x1xf32>
    %add3A_452 = vector.broadcast %slice3A_451 : vector<128x1xf32> to vector<128x128xf32>
    %add3A_453 = arith.addf %add3A_450, %add3A_452 : vector<128x128xf32>
    %get3A_454 = arith.constant 1 : index
    %get3A_455 = arith.constant 0 : index
    %get3A_456 = arith.constant 0 : index
    %get3A_457 = vector.load %arg17[%get3A_454, %get3A_455, %get3A_456] : memref<3x25x128xf32, #tpu.memory_space<vmem>>, vector<1x25x128xf32>
    %get3A_458 = vector.shape_cast %get3A_457 : vector<1x25x128xf32> to vector<25x128xf32>
    %transpose3A_459 = tpu.transpose %get3A_458, [1, 0] : vector<25x128xf32> -> vector<128x25xf32>
    %convert_element_type3A_460 = arith.truncf %transpose3A_459 : vector<128x25xf32> to vector<128x25xbf16>
    %get3A_461 = arith.constant 1 : index
    %get3A_462 = arith.constant 0 : index
    %get3A_463 = arith.constant 0 : index
    %get3A_464 = vector.load %arg19[%get3A_461, %get3A_462, %get3A_463] : memref<3x128x128xf32, #tpu.memory_space<vmem>>, vector<1x128x128xf32>
    %get3A_465 = vector.shape_cast %get3A_464 : vector<1x128x128xf32> to vector<128x128xf32>
    %transpose3A_466 = tpu.transpose %get3A_465, [1, 0] : vector<128x128xf32> -> vector<128x128xf32>
    %convert_element_type3A_467 = arith.truncf %transpose3A_466 : vector<128x128xf32> to vector<128x128xbf16>
    %get3A_468 = arith.constant 1 : index
    %get3A_469 = arith.constant 0 : index
    %get3A_470 = arith.constant 0 : index
    %get3A_471 = vector.load %arg21[%get3A_468, %get3A_469, %get3A_470] : memref<3x250x128xf32, #tpu.memory_space<vmem>>, vector<1x250x128xf32>
    %get3A_472 = vector.shape_cast %get3A_471 : vector<1x250x128xf32> to vector<250x128xf32>
    %transpose3A_473 = tpu.transpose %get3A_472, [1, 0] : vector<250x128xf32> -> vector<128x250xf32>
    %convert_element_type3A_474 = arith.truncf %transpose3A_473 : vector<128x250xf32> to vector<128x250xbf16>
    %get3A_475 = arith.constant 1 : index
    %get3A_476 = arith.constant 0 : index
    %get3A_477 = arith.constant 0 : index
    %get3A_478 = vector.load %arg23[%get3A_475, %get3A_476, %get3A_477] : memref<3x128x128xf32, #tpu.memory_space<vmem>>, vector<1x128x128xf32>
    %get3A_479 = vector.shape_cast %get3A_478 : vector<1x128x128xf32> to vector<128x128xf32>
    %transpose3A_480 = tpu.transpose %get3A_479, [1, 0] : vector<128x128xf32> -> vector<128x128xf32>
    %convert_element_type3A_481 = arith.truncf %transpose3A_480 : vector<128x128xf32> to vector<128x128xbf16>
    %get3A_482 = arith.constant 1 : index
    %get3A_483 = arith.constant 0 : index
    %get3A_484 = arith.constant 0 : index
    %get3A_485 = vector.load %arg25[%get3A_482, %get3A_483, %get3A_484] : memref<3x128x128xf32, #tpu.memory_space<vmem>>, vector<1x128x128xf32>
    %get3A_486 = vector.shape_cast %get3A_485 : vector<1x128x128xf32> to vector<128x128xf32>
    %transpose3A_487 = tpu.transpose %get3A_486, [1, 0] : vector<128x128xf32> -> vector<128x128xf32>
    %get3A_488 = arith.constant 1 : index
    %get3A_489 = arith.constant 0 : index
    %get3A_490 = arith.constant 0 : index
    %get3A_491 = vector.load %arg26[%get3A_488, %get3A_489, %get3A_490] : memref<3x128x128xf32, #tpu.memory_space<vmem>>, vector<1x128x128xf32>
    %get3A_492 = vector.shape_cast %get3A_491 : vector<1x128x128xf32> to vector<128x128xf32>
    %transpose3A_493 = tpu.transpose %get3A_492, [1, 0] : vector<128x128xf32> -> vector<128x128xf32>
    %get3A_494 = arith.constant 1 : index
    %get3A_495 = arith.constant 0 : index
    %get3A_496 = arith.constant 0 : index
    %get3A_497 = vector.load %arg28[%get3A_494, %get3A_495, %get3A_496] : memref<3x128x128xf32, #tpu.memory_space<vmem>>, vector<1x128x128xf32>
    %get3A_498 = vector.shape_cast %get3A_497 : vector<1x128x128xf32> to vector<128x128xf32>
    %transpose3A_499 = tpu.transpose %get3A_498, [1, 0] : vector<128x128xf32> -> vector<128x128xf32>
    %dot_general3A_500 = arith.constant dense<0.000000e+00> : vector<128x128xf32>
    %dot_general3A_501 = tpu.matmul %transpose3A_487, %add3A_453, %dot_general3A_500 {dimension_numbers = #tpu.dot_dimension_numbers<[1], [0], [0], [1], [0, 0, 1, 1], [], []>, transpose_lhs_hint = false} : vector<128x128xf32>, vector<128x128xf32>, vector<128x128xf32> -> vector<128x128xf32>
    %convert_element_type3A_502 = arith.truncf %dot_general3A_501 : vector<128x128xf32> to vector<128x128xbf16>
    %dot_general3A_503 = arith.constant dense<0.000000e+00> : vector<128x4096xf32>
    %dot_general3A_504 = tpu.matmul %convert_element_type3A_460, %convert_element_type3A_64, %dot_general3A_503 {dimension_numbers = #tpu.dot_dimension_numbers<[1], [0], [0], [1], [0, 0, 1, 1], [], []>, transpose_lhs_hint = false} : vector<128x25xbf16>, vector<25x4096xbf16>, vector<128x4096xf32> -> vector<128x4096xf32>
    %slice3A_505 = vector.extract_strided_slice %transpose3A_30 {offsets = [0, 1], sizes = [128, 1], strides = [1, 1]} : vector<128x18xf32> to vector<128x1xf32>
    %add3A_506 = vector.broadcast %slice3A_505 : vector<128x1xf32> to vector<128x4096xf32>
    %add3A_507 = arith.addf %dot_general3A_504, %add3A_506 : vector<128x4096xf32>
    %custom_jvp_call3A_508 = arith.constant 0.000000e+00 : f32
    %max3A_509 = vector.broadcast %custom_jvp_call3A_508 : f32 to vector<128x4096xf32>
    %max3A_510 = arith.maximumf %add3A_507, %max3A_509 : vector<128x4096xf32>
    %sub3A_511 = vector.broadcast %custom_jvp_call3A_508 : f32 to vector<128x4096xf32>
    %sub3A_512 = arith.subf %add3A_507, %sub3A_511 : vector<128x4096xf32>
    %ne3A_513 = arith.cmpf one, %sub3A_512, %sub3A_512 : vector<128x4096xf32>
    %add3A_514 = vector.broadcast %custom_jvp_call3A_508 : f32 to vector<128x4096xf32>
    %add3A_515 = arith.addf %add3A_507, %add3A_514 : vector<128x4096xf32>
    %abs3A_516 = math.absf %sub3A_512 : vector<128x4096xf32>
    %neg3A_517 = arith.constant 0.000000e+00 : f32
    %neg3A_518 = vector.broadcast %neg3A_517 : f32 to vector<128x4096xf32>
    %neg3A_519 = arith.subf %neg3A_518, %abs3A_516 : vector<128x4096xf32>
    %exp3A_520 = math.exp %neg3A_519 : vector<128x4096xf32>
    %log1p3A_521 = math.log1p %exp3A_520 : vector<128x4096xf32>
    %add3A_522 = arith.addf %max3A_510, %log1p3A_521 : vector<128x4096xf32>
    %select_n3A_523 = arith.select %ne3A_513, %add3A_515, %add3A_522 : vector<128x4096xi1>, vector<128x4096xf32>
    %sub3A_524 = arith.constant 0.693147182 : f32
    %sub3A_525 = vector.broadcast %sub3A_524 : f32 to vector<128x4096xf32>
    %sub3A_526 = arith.subf %select_n3A_523, %sub3A_525 : vector<128x4096xf32>
    %convert_element_type3A_527 = arith.truncf %sub3A_526 : vector<128x4096xf32> to vector<128x4096xbf16>
    %dot_general3A_528 = arith.constant dense<0.000000e+00> : vector<128x4096xf32>
    %dot_general3A_529 = tpu.matmul %convert_element_type3A_467, %convert_element_type3A_527, %dot_general3A_528 {dimension_numbers = #tpu.dot_dimension_numbers<[1], [0], [0], [1], [0, 0, 1, 1], [], []>, transpose_lhs_hint = false} : vector<128x128xbf16>, vector<128x4096xbf16>, vector<128x4096xf32> -> vector<128x4096xf32>
    %slice3A_530 = vector.extract_strided_slice %transpose3A_30 {offsets = [0, 4], sizes = [128, 1], strides = [1, 1]} : vector<128x18xf32> to vector<128x1xf32>
    %add3A_531 = vector.broadcast %slice3A_530 : vector<128x1xf32> to vector<128x4096xf32>
    %add3A_532 = arith.addf %dot_general3A_529, %add3A_531 : vector<128x4096xf32>
    %mul3A_533 = vector.broadcast %mul3A_84 : vector<1x4096xf32> to vector<128x4096xf32>
    %mul3A_534 = arith.mulf %add3A_532, %mul3A_533 : vector<128x4096xf32>
    %dot_general3A_535 = arith.constant dense<0.000000e+00> : vector<128x4096xf32>
    %dot_general3A_536 = tpu.matmul %convert_element_type3A_502, %convert_element_type3A_39, %dot_general3A_535 {dimension_numbers = #tpu.dot_dimension_numbers<[1], [0], [0], [1], [0, 0, 1, 1], [], []>, transpose_lhs_hint = false} : vector<128x128xbf16>, vector<128x4096xbf16>, vector<128x4096xf32> -> vector<128x4096xf32>
    %mul3A_537 = arith.mulf %dot_general3A_536, %mul3A_534 : vector<128x4096xf32>
    %convert_element_type3A_538 = arith.truncf %mul3A_537 : vector<128x4096xf32> to vector<128x4096xbf16>
    %dot_general3A_539 = arith.constant dense<0.000000e+00> : vector<128x128xf32>
    %dot_general3A_540 = tpu.matmul %convert_element_type3A_538, %get3A_230, %dot_general3A_539 {dimension_numbers = #tpu.dot_dimension_numbers<[1], [0], [0], [1], [0, 0, 1, 1], [], []>, transpose_lhs_hint = false} : vector<128x4096xbf16>, vector<4096x128xbf16>, vector<128x128xf32> -> vector<128x128xf32>
    %slice3A_541 = vector.extract_strided_slice %convert_element_type3A_167 {offsets = [0, 0], sizes = [25, 6144], strides = [1, 1]} : vector<25x12288xbf16> to vector<25x6144xbf16>
    %dot_general3A_542 = arith.constant dense<0.000000e+00> : vector<250x6144xf32>
    %dot_general3A_543 = tpu.matmul %convert_element_type3A_220, %slice3A_541, %dot_general3A_542 {dimension_numbers = #tpu.dot_dimension_numbers<[1], [0], [0], [1], [0, 0, 1, 1], [], []>, transpose_lhs_hint = false} : vector<250x25xbf16>, vector<25x6144xbf16>, vector<250x6144xf32> -> vector<250x6144xf32>
    %slice3A_544 = vector.extract_strided_slice %convert_element_type3A_190 {offsets = [0, 0], sizes = [10, 6144], strides = [1, 1]} : vector<10x12288xbf16> to vector<10x6144xbf16>
    %dot_general3A_545 = arith.constant dense<0.000000e+00> : vector<250x6144xf32>
    %dot_general3A_546 = tpu.matmul %convert_element_type3A_224, %slice3A_544, %dot_general3A_545 {dimension_numbers = #tpu.dot_dimension_numbers<[1], [0], [0], [1], [0, 0, 1, 1], [], []>, transpose_lhs_hint = false} : vector<250x10xbf16>, vector<10x6144xbf16>, vector<250x6144xf32> -> vector<250x6144xf32>
    %mul3A_547 = arith.mulf %dot_general3A_543, %dot_general3A_546 : vector<250x6144xf32>
    %convert_element_type3A_548 = arith.truncf %mul3A_547 : vector<250x6144xf32> to vector<250x6144xbf16>
    %dot_general3A_549 = arith.constant dense<0.000000e+00> : vector<128x6144xf32>
    %dot_general3A_550 = tpu.matmul %convert_element_type3A_474, %convert_element_type3A_548, %dot_general3A_549 {dimension_numbers = #tpu.dot_dimension_numbers<[1], [0], [0], [1], [0, 0, 1, 1], [], []>, transpose_lhs_hint = false} : vector<128x250xbf16>, vector<250x6144xbf16>, vector<128x6144xf32> -> vector<128x6144xf32>
    %slice3A_551 = vector.extract_strided_slice %transpose3A_30 {offsets = [0, 7], sizes = [128, 1], strides = [1, 1]} : vector<128x18xf32> to vector<128x1xf32>
    %add3A_552 = vector.broadcast %slice3A_551 : vector<128x1xf32> to vector<128x6144xf32>
    %add3A_553 = arith.addf %dot_general3A_550, %add3A_552 : vector<128x6144xf32>
    %custom_jvp_call3A_554 = arith.constant 0.000000e+00 : f32
    %max3A_555 = vector.broadcast %custom_jvp_call3A_554 : f32 to vector<128x6144xf32>
    %max3A_556 = arith.maximumf %add3A_553, %max3A_555 : vector<128x6144xf32>
    %sub3A_557 = vector.broadcast %custom_jvp_call3A_554 : f32 to vector<128x6144xf32>
    %sub3A_558 = arith.subf %add3A_553, %sub3A_557 : vector<128x6144xf32>
    %ne3A_559 = arith.cmpf one, %sub3A_558, %sub3A_558 : vector<128x6144xf32>
    %add3A_560 = vector.broadcast %custom_jvp_call3A_554 : f32 to vector<128x6144xf32>
    %add3A_561 = arith.addf %add3A_553, %add3A_560 : vector<128x6144xf32>
    %abs3A_562 = math.absf %sub3A_558 : vector<128x6144xf32>
    %neg3A_563 = arith.constant 0.000000e+00 : f32
    %neg3A_564 = vector.broadcast %neg3A_563 : f32 to vector<128x6144xf32>
    %neg3A_565 = arith.subf %neg3A_564, %abs3A_562 : vector<128x6144xf32>
    %exp3A_566 = math.exp %neg3A_565 : vector<128x6144xf32>
    %log1p3A_567 = math.log1p %exp3A_566 : vector<128x6144xf32>
    %add3A_568 = arith.addf %max3A_556, %log1p3A_567 : vector<128x6144xf32>
    %select_n3A_569 = arith.select %ne3A_559, %add3A_561, %add3A_568 : vector<128x6144xi1>, vector<128x6144xf32>
    %sub3A_570 = arith.constant 0.693147182 : f32
    %sub3A_571 = vector.broadcast %sub3A_570 : f32 to vector<128x6144xf32>
    %sub3A_572 = arith.subf %select_n3A_569, %sub3A_571 : vector<128x6144xf32>
    %convert_element_type3A_573 = arith.truncf %sub3A_572 : vector<128x6144xf32> to vector<128x6144xbf16>
    %dot_general3A_574 = arith.constant dense<0.000000e+00> : vector<128x6144xf32>
    %dot_general3A_575 = tpu.matmul %convert_element_type3A_481, %convert_element_type3A_573, %dot_general3A_574 {dimension_numbers = #tpu.dot_dimension_numbers<[1], [0], [0], [1], [0, 0, 1, 1], [], []>, transpose_lhs_hint = false} : vector<128x128xbf16>, vector<128x6144xbf16>, vector<128x6144xf32> -> vector<128x6144xf32>
    %slice3A_576 = vector.extract_strided_slice %transpose3A_30 {offsets = [0, 10], sizes = [128, 1], strides = [1, 1]} : vector<128x18xf32> to vector<128x1xf32>
    %add3A_577 = vector.broadcast %slice3A_576 : vector<128x1xf32> to vector<128x6144xf32>
    %add3A_578 = arith.addf %dot_general3A_575, %add3A_577 : vector<128x6144xf32>
    %slice3A_579 = vector.extract_strided_slice %mul3A_216 {offsets = [0, 0], sizes = [1, 6144], strides = [1, 1]} : vector<1x12288xf32> to vector<1x6144xf32>
    %mul3A_580 = vector.broadcast %slice3A_579 : vector<1x6144xf32> to vector<128x6144xf32>
    %mul3A_581 = arith.mulf %add3A_578, %mul3A_580 : vector<128x6144xf32>
    %slice3A_582 = vector.extract_strided_slice %convert_element_type3A_94 {offsets = [0, 0], sizes = [128, 6144], strides = [1, 1]} : vector<128x12288xbf16> to vector<128x6144xbf16>
    %dot_general3A_583 = arith.constant dense<0.000000e+00> : vector<128x6144xf32>
    %dot_general3A_584 = tpu.matmul %convert_element_type3A_502, %slice3A_582, %dot_general3A_583 {dimension_numbers = #tpu.dot_dimension_numbers<[1], [0], [0], [1], [0, 0, 1, 1], [], []>, transpose_lhs_hint = false} : vector<128x128xbf16>, vector<128x6144xbf16>, vector<128x6144xf32> -> vector<128x6144xf32>
    %slice3A_585 = vector.extract_strided_slice %convert_element_type3A_104 {offsets = [0, 0], sizes = [128, 6144], strides = [1, 1]} : vector<128x12288xbf16> to vector<128x6144xbf16>
    %dot_general3A_586 = arith.constant dense<0.000000e+00> : vector<128x6144xf32>
    %dot_general3A_587 = tpu.matmul %convert_element_type3A_502, %slice3A_585, %dot_general3A_586 {dimension_numbers = #tpu.dot_dimension_numbers<[1], [0], [0], [1], [0, 0, 1, 1], [], []>, transpose_lhs_hint = false} : vector<128x128xbf16>, vector<128x6144xbf16>, vector<128x6144xf32> -> vector<128x6144xf32>
    %mul3A_588 = arith.mulf %dot_general3A_584, %dot_general3A_587 : vector<128x6144xf32>
    %mul3A_589 = arith.mulf %mul3A_588, %mul3A_581 : vector<128x6144xf32>
    %convert_element_type3A_590 = arith.truncf %mul3A_589 : vector<128x6144xf32> to vector<128x6144xbf16>
    %slice3A_591 = vector.extract_strided_slice %get3A_227 {offsets = [0, 0], sizes = [6144, 128], strides = [1, 1]} : vector<12288x128xbf16> to vector<6144x128xbf16>
    %dot_general3A_592 = arith.constant dense<0.000000e+00> : vector<128x128xf32>
    %dot_general3A_593 = tpu.matmul %convert_element_type3A_590, %slice3A_591, %dot_general3A_592 {dimension_numbers = #tpu.dot_dimension_numbers<[1], [0], [0], [1], [0, 0, 1, 1], [], []>, transpose_lhs_hint = false} : vector<128x6144xbf16>, vector<6144x128xbf16>, vector<128x128xf32> -> vector<128x128xf32>
    %add3A_594 = arith.addf %dot_general3A_540, %dot_general3A_593 : vector<128x128xf32>
    %slice3A_595 = vector.extract_strided_slice %convert_element_type3A_167 {offsets = [0, 6144], sizes = [25, 6144], strides = [1, 1]} : vector<25x12288xbf16> to vector<25x6144xbf16>
    %dot_general3A_596 = arith.constant dense<0.000000e+00> : vector<250x6144xf32>
    %dot_general3A_597 = tpu.matmul %convert_element_type3A_220, %slice3A_595, %dot_general3A_596 {dimension_numbers = #tpu.dot_dimension_numbers<[1], [0], [0], [1], [0, 0, 1, 1], [], []>, transpose_lhs_hint = false} : vector<250x25xbf16>, vector<25x6144xbf16>, vector<250x6144xf32> -> vector<250x6144xf32>
    %slice3A_598 = vector.extract_strided_slice %convert_element_type3A_190 {offsets = [0, 6144], sizes = [10, 6144], strides = [1, 1]} : vector<10x12288xbf16> to vector<10x6144xbf16>
    %dot_general3A_599 = arith.constant dense<0.000000e+00> : vector<250x6144xf32>
    %dot_general3A_600 = tpu.matmul %convert_element_type3A_224, %slice3A_598, %dot_general3A_599 {dimension_numbers = #tpu.dot_dimension_numbers<[1], [0], [0], [1], [0, 0, 1, 1], [], []>, transpose_lhs_hint = false} : vector<250x10xbf16>, vector<10x6144xbf16>, vector<250x6144xf32> -> vector<250x6144xf32>
    %mul3A_601 = arith.mulf %dot_general3A_597, %dot_general3A_600 : vector<250x6144xf32>
    %convert_element_type3A_602 = arith.truncf %mul3A_601 : vector<250x6144xf32> to vector<250x6144xbf16>
    %dot_general3A_603 = arith.constant dense<0.000000e+00> : vector<128x6144xf32>
    %dot_general3A_604 = tpu.matmul %convert_element_type3A_474, %convert_element_type3A_602, %dot_general3A_603 {dimension_numbers = #tpu.dot_dimension_numbers<[1], [0], [0], [1], [0, 0, 1, 1], [], []>, transpose_lhs_hint = false} : vector<128x250xbf16>, vector<250x6144xbf16>, vector<128x6144xf32> -> vector<128x6144xf32>
    %slice3A_605 = vector.extract_strided_slice %transpose3A_30 {offsets = [0, 7], sizes = [128, 1], strides = [1, 1]} : vector<128x18xf32> to vector<128x1xf32>
    %add3A_606 = vector.broadcast %slice3A_605 : vector<128x1xf32> to vector<128x6144xf32>
    %add3A_607 = arith.addf %dot_general3A_604, %add3A_606 : vector<128x6144xf32>
    %custom_jvp_call3A_608 = arith.constant 0.000000e+00 : f32
    %max3A_609 = vector.broadcast %custom_jvp_call3A_608 : f32 to vector<128x6144xf32>
    %max3A_610 = arith.maximumf %add3A_607, %max3A_609 : vector<128x6144xf32>
    %sub3A_611 = vector.broadcast %custom_jvp_call3A_608 : f32 to vector<128x6144xf32>
    %sub3A_612 = arith.subf %add3A_607, %sub3A_611 : vector<128x6144xf32>
    %ne3A_613 = arith.cmpf one, %sub3A_612, %sub3A_612 : vector<128x6144xf32>
    %add3A_614 = vector.broadcast %custom_jvp_call3A_608 : f32 to vector<128x6144xf32>
    %add3A_615 = arith.addf %add3A_607, %add3A_614 : vector<128x6144xf32>
    %abs3A_616 = math.absf %sub3A_612 : vector<128x6144xf32>
    %neg3A_617 = arith.constant 0.000000e+00 : f32
    %neg3A_618 = vector.broadcast %neg3A_617 : f32 to vector<128x6144xf32>
    %neg3A_619 = arith.subf %neg3A_618, %abs3A_616 : vector<128x6144xf32>
    %exp3A_620 = math.exp %neg3A_619 : vector<128x6144xf32>
    %log1p3A_621 = math.log1p %exp3A_620 : vector<128x6144xf32>
    %add3A_622 = arith.addf %max3A_610, %log1p3A_621 : vector<128x6144xf32>
    %select_n3A_623 = arith.select %ne3A_613, %add3A_615, %add3A_622 : vector<128x6144xi1>, vector<128x6144xf32>
    %sub3A_624 = arith.constant 0.693147182 : f32
    %sub3A_625 = vector.broadcast %sub3A_624 : f32 to vector<128x6144xf32>
    %sub3A_626 = arith.subf %select_n3A_623, %sub3A_625 : vector<128x6144xf32>
    %convert_element_type3A_627 = arith.truncf %sub3A_626 : vector<128x6144xf32> to vector<128x6144xbf16>
    %dot_general3A_628 = arith.constant dense<0.000000e+00> : vector<128x6144xf32>
    %dot_general3A_629 = tpu.matmul %convert_element_type3A_481, %convert_element_type3A_627, %dot_general3A_628 {dimension_numbers = #tpu.dot_dimension_numbers<[1], [0], [0], [1], [0, 0, 1, 1], [], []>, transpose_lhs_hint = false} : vector<128x128xbf16>, vector<128x6144xbf16>, vector<128x6144xf32> -> vector<128x6144xf32>
    %slice3A_630 = vector.extract_strided_slice %transpose3A_30 {offsets = [0, 10], sizes = [128, 1], strides = [1, 1]} : vector<128x18xf32> to vector<128x1xf32>
    %add3A_631 = vector.broadcast %slice3A_630 : vector<128x1xf32> to vector<128x6144xf32>
    %add3A_632 = arith.addf %dot_general3A_629, %add3A_631 : vector<128x6144xf32>
    %slice3A_633 = vector.extract_strided_slice %mul3A_216 {offsets = [0, 6144], sizes = [1, 6144], strides = [1, 1]} : vector<1x12288xf32> to vector<1x6144xf32>
    %mul3A_634 = vector.broadcast %slice3A_633 : vector<1x6144xf32> to vector<128x6144xf32>
    %mul3A_635 = arith.mulf %add3A_632, %mul3A_634 : vector<128x6144xf32>
    %slice3A_636 = vector.extract_strided_slice %convert_element_type3A_94 {offsets = [0, 6144], sizes = [128, 6144], strides = [1, 1]} : vector<128x12288xbf16> to vector<128x6144xbf16>
    %dot_general3A_637 = arith.constant dense<0.000000e+00> : vector<128x6144xf32>
    %dot_general3A_638 = tpu.matmul %convert_element_type3A_502, %slice3A_636, %dot_general3A_637 {dimension_numbers = #tpu.dot_dimension_numbers<[1], [0], [0], [1], [0, 0, 1, 1], [], []>, transpose_lhs_hint = false} : vector<128x128xbf16>, vector<128x6144xbf16>, vector<128x6144xf32> -> vector<128x6144xf32>
    %slice3A_639 = vector.extract_strided_slice %convert_element_type3A_104 {offsets = [0, 6144], sizes = [128, 6144], strides = [1, 1]} : vector<128x12288xbf16> to vector<128x6144xbf16>
    %dot_general3A_640 = arith.constant dense<0.000000e+00> : vector<128x6144xf32>
    %dot_general3A_641 = tpu.matmul %convert_element_type3A_502, %slice3A_639, %dot_general3A_640 {dimension_numbers = #tpu.dot_dimension_numbers<[1], [0], [0], [1], [0, 0, 1, 1], [], []>, transpose_lhs_hint = false} : vector<128x128xbf16>, vector<128x6144xbf16>, vector<128x6144xf32> -> vector<128x6144xf32>
    %mul3A_642 = arith.mulf %dot_general3A_638, %dot_general3A_641 : vector<128x6144xf32>
    %mul3A_643 = arith.mulf %mul3A_642, %mul3A_635 : vector<128x6144xf32>
    %convert_element_type3A_644 = arith.truncf %mul3A_643 : vector<128x6144xf32> to vector<128x6144xbf16>
    %slice3A_645 = vector.extract_strided_slice %get3A_227 {offsets = [6144, 0], sizes = [6144, 128], strides = [1, 1]} : vector<12288x128xbf16> to vector<6144x128xbf16>
    %dot_general3A_646 = arith.constant dense<0.000000e+00> : vector<128x128xf32>
    %dot_general3A_647 = tpu.matmul %convert_element_type3A_644, %slice3A_645, %dot_general3A_646 {dimension_numbers = #tpu.dot_dimension_numbers<[1], [0], [0], [1], [0, 0, 1, 1], [], []>, transpose_lhs_hint = false} : vector<128x6144xbf16>, vector<6144x128xbf16>, vector<128x128xf32> -> vector<128x128xf32>
    %add3A_648 = arith.addf %add3A_594, %dot_general3A_647 : vector<128x128xf32>
    %dot_general3A_649 = arith.constant dense<0.000000e+00> : vector<128x128xf32>
    %dot_general3A_650 = tpu.matmul %transpose3A_493, %add3A_648, %dot_general3A_649 {dimension_numbers = #tpu.dot_dimension_numbers<[1], [0], [0], [1], [0, 0, 1, 1], [], []>, transpose_lhs_hint = false} : vector<128x128xf32>, vector<128x128xf32>, vector<128x128xf32> -> vector<128x128xf32>
    %slice3A_651 = vector.extract_strided_slice %transpose3A_30 {offsets = [0, 13], sizes = [128, 1], strides = [1, 1]} : vector<128x18xf32> to vector<128x1xf32>
    %add3A_652 = vector.broadcast %slice3A_651 : vector<128x1xf32> to vector<128x128xf32>
    %add3A_653 = arith.addf %dot_general3A_650, %add3A_652 : vector<128x128xf32>
    %custom_jvp_call3A_654 = arith.constant 0.000000e+00 : f32
    %max3A_655 = vector.broadcast %custom_jvp_call3A_654 : f32 to vector<128x128xf32>
    %max3A_656 = arith.maximumf %add3A_653, %max3A_655 : vector<128x128xf32>
    %sub3A_657 = vector.broadcast %custom_jvp_call3A_654 : f32 to vector<128x128xf32>
    %sub3A_658 = arith.subf %add3A_653, %sub3A_657 : vector<128x128xf32>
    %ne3A_659 = arith.cmpf one, %sub3A_658, %sub3A_658 : vector<128x128xf32>
    %add3A_660 = vector.broadcast %custom_jvp_call3A_654 : f32 to vector<128x128xf32>
    %add3A_661 = arith.addf %add3A_653, %add3A_660 : vector<128x128xf32>
    %abs3A_662 = math.absf %sub3A_658 : vector<128x128xf32>
    %neg3A_663 = arith.constant 0.000000e+00 : f32
    %neg3A_664 = vector.broadcast %neg3A_663 : f32 to vector<128x128xf32>
    %neg3A_665 = arith.subf %neg3A_664, %abs3A_662 : vector<128x128xf32>
    %exp3A_666 = math.exp %neg3A_665 : vector<128x128xf32>
    %log1p3A_667 = math.log1p %exp3A_666 : vector<128x128xf32>
    %add3A_668 = arith.addf %max3A_656, %log1p3A_667 : vector<128x128xf32>
    %select_n3A_669 = arith.select %ne3A_659, %add3A_661, %add3A_668 : vector<128x128xi1>, vector<128x128xf32>
    %sub3A_670 = arith.constant 0.693147182 : f32
    %sub3A_671 = vector.broadcast %sub3A_670 : f32 to vector<128x128xf32>
    %sub3A_672 = arith.subf %select_n3A_669, %sub3A_671 : vector<128x128xf32>
    %dot_general3A_673 = arith.constant dense<0.000000e+00> : vector<128x128xf32>
    %dot_general3A_674 = tpu.matmul %transpose3A_499, %sub3A_672, %dot_general3A_673 {dimension_numbers = #tpu.dot_dimension_numbers<[1], [0], [0], [1], [0, 0, 1, 1], [], []>, transpose_lhs_hint = false} : vector<128x128xf32>, vector<128x128xf32>, vector<128x128xf32> -> vector<128x128xf32>
    %add3A_675 = arith.addf %add3A_453, %dot_general3A_674 : vector<128x128xf32>
    %slice3A_676 = vector.extract_strided_slice %transpose3A_30 {offsets = [0, 16], sizes = [128, 1], strides = [1, 1]} : vector<128x18xf32> to vector<128x1xf32>
    %add3A_677 = vector.broadcast %slice3A_676 : vector<128x1xf32> to vector<128x128xf32>
    %add3A_678 = arith.addf %add3A_675, %add3A_677 : vector<128x128xf32>
    %get3A_679 = arith.constant 2 : index
    %get3A_680 = arith.constant 0 : index
    %get3A_681 = arith.constant 0 : index
    %get3A_682 = vector.load %arg17[%get3A_679, %get3A_680, %get3A_681] : memref<3x25x128xf32, #tpu.memory_space<vmem>>, vector<1x25x128xf32>
    %get3A_683 = vector.shape_cast %get3A_682 : vector<1x25x128xf32> to vector<25x128xf32>
    %transpose3A_684 = tpu.transpose %get3A_683, [1, 0] : vector<25x128xf32> -> vector<128x25xf32>
    %convert_element_type3A_685 = arith.truncf %transpose3A_684 : vector<128x25xf32> to vector<128x25xbf16>
    %get3A_686 = arith.constant 2 : index
    %get3A_687 = arith.constant 0 : index
    %get3A_688 = arith.constant 0 : index
    %get3A_689 = vector.load %arg19[%get3A_686, %get3A_687, %get3A_688] : memref<3x128x128xf32, #tpu.memory_space<vmem>>, vector<1x128x128xf32>
    %get3A_690 = vector.shape_cast %get3A_689 : vector<1x128x128xf32> to vector<128x128xf32>
    %transpose3A_691 = tpu.transpose %get3A_690, [1, 0] : vector<128x128xf32> -> vector<128x128xf32>
    %convert_element_type3A_692 = arith.truncf %transpose3A_691 : vector<128x128xf32> to vector<128x128xbf16>
    %get3A_693 = arith.constant 2 : index
    %get3A_694 = arith.constant 0 : index
    %get3A_695 = arith.constant 0 : index
    %get3A_696 = vector.load %arg21[%get3A_693, %get3A_694, %get3A_695] : memref<3x250x128xf32, #tpu.memory_space<vmem>>, vector<1x250x128xf32>
    %get3A_697 = vector.shape_cast %get3A_696 : vector<1x250x128xf32> to vector<250x128xf32>
    %transpose3A_698 = tpu.transpose %get3A_697, [1, 0] : vector<250x128xf32> -> vector<128x250xf32>
    %convert_element_type3A_699 = arith.truncf %transpose3A_698 : vector<128x250xf32> to vector<128x250xbf16>
    %get3A_700 = arith.constant 2 : index
    %get3A_701 = arith.constant 0 : index
    %get3A_702 = arith.constant 0 : index
    %get3A_703 = vector.load %arg23[%get3A_700, %get3A_701, %get3A_702] : memref<3x128x128xf32, #tpu.memory_space<vmem>>, vector<1x128x128xf32>
    %get3A_704 = vector.shape_cast %get3A_703 : vector<1x128x128xf32> to vector<128x128xf32>
    %transpose3A_705 = tpu.transpose %get3A_704, [1, 0] : vector<128x128xf32> -> vector<128x128xf32>
    %convert_element_type3A_706 = arith.truncf %transpose3A_705 : vector<128x128xf32> to vector<128x128xbf16>
    %get3A_707 = arith.constant 2 : index
    %get3A_708 = arith.constant 0 : index
    %get3A_709 = arith.constant 0 : index
    %get3A_710 = vector.load %arg25[%get3A_707, %get3A_708, %get3A_709] : memref<3x128x128xf32, #tpu.memory_space<vmem>>, vector<1x128x128xf32>
    %get3A_711 = vector.shape_cast %get3A_710 : vector<1x128x128xf32> to vector<128x128xf32>
    %transpose3A_712 = tpu.transpose %get3A_711, [1, 0] : vector<128x128xf32> -> vector<128x128xf32>
    %get3A_713 = arith.constant 2 : index
    %get3A_714 = arith.constant 0 : index
    %get3A_715 = arith.constant 0 : index
    %get3A_716 = vector.load %arg26[%get3A_713, %get3A_714, %get3A_715] : memref<3x128x128xf32, #tpu.memory_space<vmem>>, vector<1x128x128xf32>
    %get3A_717 = vector.shape_cast %get3A_716 : vector<1x128x128xf32> to vector<128x128xf32>
    %transpose3A_718 = tpu.transpose %get3A_717, [1, 0] : vector<128x128xf32> -> vector<128x128xf32>
    %get3A_719 = arith.constant 2 : index
    %get3A_720 = arith.constant 0 : index
    %get3A_721 = arith.constant 0 : index
    %get3A_722 = vector.load %arg28[%get3A_719, %get3A_720, %get3A_721] : memref<3x128x128xf32, #tpu.memory_space<vmem>>, vector<1x128x128xf32>
    %get3A_723 = vector.shape_cast %get3A_722 : vector<1x128x128xf32> to vector<128x128xf32>
    %transpose3A_724 = tpu.transpose %get3A_723, [1, 0] : vector<128x128xf32> -> vector<128x128xf32>
    %dot_general3A_725 = arith.constant dense<0.000000e+00> : vector<128x128xf32>
    %dot_general3A_726 = tpu.matmul %transpose3A_712, %add3A_678, %dot_general3A_725 {dimension_numbers = #tpu.dot_dimension_numbers<[1], [0], [0], [1], [0, 0, 1, 1], [], []>, transpose_lhs_hint = false} : vector<128x128xf32>, vector<128x128xf32>, vector<128x128xf32> -> vector<128x128xf32>
    %convert_element_type3A_727 = arith.truncf %dot_general3A_726 : vector<128x128xf32> to vector<128x128xbf16>
    %dot_general3A_728 = arith.constant dense<0.000000e+00> : vector<128x4096xf32>
    %dot_general3A_729 = tpu.matmul %convert_element_type3A_685, %convert_element_type3A_64, %dot_general3A_728 {dimension_numbers = #tpu.dot_dimension_numbers<[1], [0], [0], [1], [0, 0, 1, 1], [], []>, transpose_lhs_hint = false} : vector<128x25xbf16>, vector<25x4096xbf16>, vector<128x4096xf32> -> vector<128x4096xf32>
    %slice3A_730 = vector.extract_strided_slice %transpose3A_30 {offsets = [0, 2], sizes = [128, 1], strides = [1, 1]} : vector<128x18xf32> to vector<128x1xf32>
    %add3A_731 = vector.broadcast %slice3A_730 : vector<128x1xf32> to vector<128x4096xf32>
    %add3A_732 = arith.addf %dot_general3A_729, %add3A_731 : vector<128x4096xf32>
    %custom_jvp_call3A_733 = arith.constant 0.000000e+00 : f32
    %max3A_734 = vector.broadcast %custom_jvp_call3A_733 : f32 to vector<128x4096xf32>
    %max3A_735 = arith.maximumf %add3A_732, %max3A_734 : vector<128x4096xf32>
    %sub3A_736 = vector.broadcast %custom_jvp_call3A_733 : f32 to vector<128x4096xf32>
    %sub3A_737 = arith.subf %add3A_732, %sub3A_736 : vector<128x4096xf32>
    %ne3A_738 = arith.cmpf one, %sub3A_737, %sub3A_737 : vector<128x4096xf32>
    %add3A_739 = vector.broadcast %custom_jvp_call3A_733 : f32 to vector<128x4096xf32>
    %add3A_740 = arith.addf %add3A_732, %add3A_739 : vector<128x4096xf32>
    %abs3A_741 = math.absf %sub3A_737 : vector<128x4096xf32>
    %neg3A_742 = arith.constant 0.000000e+00 : f32
    %neg3A_743 = vector.broadcast %neg3A_742 : f32 to vector<128x4096xf32>
    %neg3A_744 = arith.subf %neg3A_743, %abs3A_741 : vector<128x4096xf32>
    %exp3A_745 = math.exp %neg3A_744 : vector<128x4096xf32>
    %log1p3A_746 = math.log1p %exp3A_745 : vector<128x4096xf32>
    %add3A_747 = arith.addf %max3A_735, %log1p3A_746 : vector<128x4096xf32>
    %select_n3A_748 = arith.select %ne3A_738, %add3A_740, %add3A_747 : vector<128x4096xi1>, vector<128x4096xf32>
    %sub3A_749 = arith.constant 0.693147182 : f32
    %sub3A_750 = vector.broadcast %sub3A_749 : f32 to vector<128x4096xf32>
    %sub3A_751 = arith.subf %select_n3A_748, %sub3A_750 : vector<128x4096xf32>
    %convert_element_type3A_752 = arith.truncf %sub3A_751 : vector<128x4096xf32> to vector<128x4096xbf16>
    %dot_general3A_753 = arith.constant dense<0.000000e+00> : vector<128x4096xf32>
    %dot_general3A_754 = tpu.matmul %convert_element_type3A_692, %convert_element_type3A_752, %dot_general3A_753 {dimension_numbers = #tpu.dot_dimension_numbers<[1], [0], [0], [1], [0, 0, 1, 1], [], []>, transpose_lhs_hint = false} : vector<128x128xbf16>, vector<128x4096xbf16>, vector<128x4096xf32> -> vector<128x4096xf32>
    %slice3A_755 = vector.extract_strided_slice %transpose3A_30 {offsets = [0, 5], sizes = [128, 1], strides = [1, 1]} : vector<128x18xf32> to vector<128x1xf32>
    %add3A_756 = vector.broadcast %slice3A_755 : vector<128x1xf32> to vector<128x4096xf32>
    %add3A_757 = arith.addf %dot_general3A_754, %add3A_756 : vector<128x4096xf32>
    %mul3A_758 = vector.broadcast %mul3A_84 : vector<1x4096xf32> to vector<128x4096xf32>
    %mul3A_759 = arith.mulf %add3A_757, %mul3A_758 : vector<128x4096xf32>
    %dot_general3A_760 = arith.constant dense<0.000000e+00> : vector<128x4096xf32>
    %dot_general3A_761 = tpu.matmul %convert_element_type3A_727, %convert_element_type3A_39, %dot_general3A_760 {dimension_numbers = #tpu.dot_dimension_numbers<[1], [0], [0], [1], [0, 0, 1, 1], [], []>, transpose_lhs_hint = false} : vector<128x128xbf16>, vector<128x4096xbf16>, vector<128x4096xf32> -> vector<128x4096xf32>
    %mul3A_762 = arith.mulf %dot_general3A_761, %mul3A_759 : vector<128x4096xf32>
    %convert_element_type3A_763 = arith.truncf %mul3A_762 : vector<128x4096xf32> to vector<128x4096xbf16>
    %dot_general3A_764 = arith.constant dense<0.000000e+00> : vector<128x128xf32>
    %dot_general3A_765 = tpu.matmul %convert_element_type3A_763, %get3A_230, %dot_general3A_764 {dimension_numbers = #tpu.dot_dimension_numbers<[1], [0], [0], [1], [0, 0, 1, 1], [], []>, transpose_lhs_hint = false} : vector<128x4096xbf16>, vector<4096x128xbf16>, vector<128x128xf32> -> vector<128x128xf32>
    %slice3A_766 = vector.extract_strided_slice %convert_element_type3A_167 {offsets = [0, 0], sizes = [25, 6144], strides = [1, 1]} : vector<25x12288xbf16> to vector<25x6144xbf16>
    %dot_general3A_767 = arith.constant dense<0.000000e+00> : vector<250x6144xf32>
    %dot_general3A_768 = tpu.matmul %convert_element_type3A_220, %slice3A_766, %dot_general3A_767 {dimension_numbers = #tpu.dot_dimension_numbers<[1], [0], [0], [1], [0, 0, 1, 1], [], []>, transpose_lhs_hint = false} : vector<250x25xbf16>, vector<25x6144xbf16>, vector<250x6144xf32> -> vector<250x6144xf32>
    %slice3A_769 = vector.extract_strided_slice %convert_element_type3A_190 {offsets = [0, 0], sizes = [10, 6144], strides = [1, 1]} : vector<10x12288xbf16> to vector<10x6144xbf16>
    %dot_general3A_770 = arith.constant dense<0.000000e+00> : vector<250x6144xf32>
    %dot_general3A_771 = tpu.matmul %convert_element_type3A_224, %slice3A_769, %dot_general3A_770 {dimension_numbers = #tpu.dot_dimension_numbers<[1], [0], [0], [1], [0, 0, 1, 1], [], []>, transpose_lhs_hint = false} : vector<250x10xbf16>, vector<10x6144xbf16>, vector<250x6144xf32> -> vector<250x6144xf32>
    %mul3A_772 = arith.mulf %dot_general3A_768, %dot_general3A_771 : vector<250x6144xf32>
    %convert_element_type3A_773 = arith.truncf %mul3A_772 : vector<250x6144xf32> to vector<250x6144xbf16>
    %dot_general3A_774 = arith.constant dense<0.000000e+00> : vector<128x6144xf32>
    %dot_general3A_775 = tpu.matmul %convert_element_type3A_699, %convert_element_type3A_773, %dot_general3A_774 {dimension_numbers = #tpu.dot_dimension_numbers<[1], [0], [0], [1], [0, 0, 1, 1], [], []>, transpose_lhs_hint = false} : vector<128x250xbf16>, vector<250x6144xbf16>, vector<128x6144xf32> -> vector<128x6144xf32>
    %slice3A_776 = vector.extract_strided_slice %transpose3A_30 {offsets = [0, 8], sizes = [128, 1], strides = [1, 1]} : vector<128x18xf32> to vector<128x1xf32>
    %add3A_777 = vector.broadcast %slice3A_776 : vector<128x1xf32> to vector<128x6144xf32>
    %add3A_778 = arith.addf %dot_general3A_775, %add3A_777 : vector<128x6144xf32>
    %custom_jvp_call3A_779 = arith.constant 0.000000e+00 : f32
    %max3A_780 = vector.broadcast %custom_jvp_call3A_779 : f32 to vector<128x6144xf32>
    %max3A_781 = arith.maximumf %add3A_778, %max3A_780 : vector<128x6144xf32>
    %sub3A_782 = vector.broadcast %custom_jvp_call3A_779 : f32 to vector<128x6144xf32>
    %sub3A_783 = arith.subf %add3A_778, %sub3A_782 : vector<128x6144xf32>
    %ne3A_784 = arith.cmpf one, %sub3A_783, %sub3A_783 : vector<128x6144xf32>
    %add3A_785 = vector.broadcast %custom_jvp_call3A_779 : f32 to vector<128x6144xf32>
    %add3A_786 = arith.addf %add3A_778, %add3A_785 : vector<128x6144xf32>
    %abs3A_787 = math.absf %sub3A_783 : vector<128x6144xf32>
    %neg3A_788 = arith.constant 0.000000e+00 : f32
    %neg3A_789 = vector.broadcast %neg3A_788 : f32 to vector<128x6144xf32>
    %neg3A_790 = arith.subf %neg3A_789, %abs3A_787 : vector<128x6144xf32>
    %exp3A_791 = math.exp %neg3A_790 : vector<128x6144xf32>
    %log1p3A_792 = math.log1p %exp3A_791 : vector<128x6144xf32>
    %add3A_793 = arith.addf %max3A_781, %log1p3A_792 : vector<128x6144xf32>
    %select_n3A_794 = arith.select %ne3A_784, %add3A_786, %add3A_793 : vector<128x6144xi1>, vector<128x6144xf32>
    %sub3A_795 = arith.constant 0.693147182 : f32
    %sub3A_796 = vector.broadcast %sub3A_795 : f32 to vector<128x6144xf32>
    %sub3A_797 = arith.subf %select_n3A_794, %sub3A_796 : vector<128x6144xf32>
    %convert_element_type3A_798 = arith.truncf %sub3A_797 : vector<128x6144xf32> to vector<128x6144xbf16>
    %dot_general3A_799 = arith.constant dense<0.000000e+00> : vector<128x6144xf32>
    %dot_general3A_800 = tpu.matmul %convert_element_type3A_706, %convert_element_type3A_798, %dot_general3A_799 {dimension_numbers = #tpu.dot_dimension_numbers<[1], [0], [0], [1], [0, 0, 1, 1], [], []>, transpose_lhs_hint = false} : vector<128x128xbf16>, vector<128x6144xbf16>, vector<128x6144xf32> -> vector<128x6144xf32>
    %slice3A_801 = vector.extract_strided_slice %transpose3A_30 {offsets = [0, 11], sizes = [128, 1], strides = [1, 1]} : vector<128x18xf32> to vector<128x1xf32>
    %add3A_802 = vector.broadcast %slice3A_801 : vector<128x1xf32> to vector<128x6144xf32>
    %add3A_803 = arith.addf %dot_general3A_800, %add3A_802 : vector<128x6144xf32>
    %slice3A_804 = vector.extract_strided_slice %mul3A_216 {offsets = [0, 0], sizes = [1, 6144], strides = [1, 1]} : vector<1x12288xf32> to vector<1x6144xf32>
    %mul3A_805 = vector.broadcast %slice3A_804 : vector<1x6144xf32> to vector<128x6144xf32>
    %mul3A_806 = arith.mulf %add3A_803, %mul3A_805 : vector<128x6144xf32>
    %slice3A_807 = vector.extract_strided_slice %convert_element_type3A_94 {offsets = [0, 0], sizes = [128, 6144], strides = [1, 1]} : vector<128x12288xbf16> to vector<128x6144xbf16>
    %dot_general3A_808 = arith.constant dense<0.000000e+00> : vector<128x6144xf32>
    %dot_general3A_809 = tpu.matmul %convert_element_type3A_727, %slice3A_807, %dot_general3A_808 {dimension_numbers = #tpu.dot_dimension_numbers<[1], [0], [0], [1], [0, 0, 1, 1], [], []>, transpose_lhs_hint = false} : vector<128x128xbf16>, vector<128x6144xbf16>, vector<128x6144xf32> -> vector<128x6144xf32>
    %slice3A_810 = vector.extract_strided_slice %convert_element_type3A_104 {offsets = [0, 0], sizes = [128, 6144], strides = [1, 1]} : vector<128x12288xbf16> to vector<128x6144xbf16>
    %dot_general3A_811 = arith.constant dense<0.000000e+00> : vector<128x6144xf32>
    %dot_general3A_812 = tpu.matmul %convert_element_type3A_727, %slice3A_810, %dot_general3A_811 {dimension_numbers = #tpu.dot_dimension_numbers<[1], [0], [0], [1], [0, 0, 1, 1], [], []>, transpose_lhs_hint = false} : vector<128x128xbf16>, vector<128x6144xbf16>, vector<128x6144xf32> -> vector<128x6144xf32>
    %mul3A_813 = arith.mulf %dot_general3A_809, %dot_general3A_812 : vector<128x6144xf32>
    %mul3A_814 = arith.mulf %mul3A_813, %mul3A_806 : vector<128x6144xf32>
    %convert_element_type3A_815 = arith.truncf %mul3A_814 : vector<128x6144xf32> to vector<128x6144xbf16>
    %slice3A_816 = vector.extract_strided_slice %get3A_227 {offsets = [0, 0], sizes = [6144, 128], strides = [1, 1]} : vector<12288x128xbf16> to vector<6144x128xbf16>
    %dot_general3A_817 = arith.constant dense<0.000000e+00> : vector<128x128xf32>
    %dot_general3A_818 = tpu.matmul %convert_element_type3A_815, %slice3A_816, %dot_general3A_817 {dimension_numbers = #tpu.dot_dimension_numbers<[1], [0], [0], [1], [0, 0, 1, 1], [], []>, transpose_lhs_hint = false} : vector<128x6144xbf16>, vector<6144x128xbf16>, vector<128x128xf32> -> vector<128x128xf32>
    %add3A_819 = arith.addf %dot_general3A_765, %dot_general3A_818 : vector<128x128xf32>
    %slice3A_820 = vector.extract_strided_slice %convert_element_type3A_167 {offsets = [0, 6144], sizes = [25, 6144], strides = [1, 1]} : vector<25x12288xbf16> to vector<25x6144xbf16>
    %dot_general3A_821 = arith.constant dense<0.000000e+00> : vector<250x6144xf32>
    %dot_general3A_822 = tpu.matmul %convert_element_type3A_220, %slice3A_820, %dot_general3A_821 {dimension_numbers = #tpu.dot_dimension_numbers<[1], [0], [0], [1], [0, 0, 1, 1], [], []>, transpose_lhs_hint = false} : vector<250x25xbf16>, vector<25x6144xbf16>, vector<250x6144xf32> -> vector<250x6144xf32>
    %slice3A_823 = vector.extract_strided_slice %convert_element_type3A_190 {offsets = [0, 6144], sizes = [10, 6144], strides = [1, 1]} : vector<10x12288xbf16> to vector<10x6144xbf16>
    %dot_general3A_824 = arith.constant dense<0.000000e+00> : vector<250x6144xf32>
    %dot_general3A_825 = tpu.matmul %convert_element_type3A_224, %slice3A_823, %dot_general3A_824 {dimension_numbers = #tpu.dot_dimension_numbers<[1], [0], [0], [1], [0, 0, 1, 1], [], []>, transpose_lhs_hint = false} : vector<250x10xbf16>, vector<10x6144xbf16>, vector<250x6144xf32> -> vector<250x6144xf32>
    %mul3A_826 = arith.mulf %dot_general3A_822, %dot_general3A_825 : vector<250x6144xf32>
    %convert_element_type3A_827 = arith.truncf %mul3A_826 : vector<250x6144xf32> to vector<250x6144xbf16>
    %dot_general3A_828 = arith.constant dense<0.000000e+00> : vector<128x6144xf32>
    %dot_general3A_829 = tpu.matmul %convert_element_type3A_699, %convert_element_type3A_827, %dot_general3A_828 {dimension_numbers = #tpu.dot_dimension_numbers<[1], [0], [0], [1], [0, 0, 1, 1], [], []>, transpose_lhs_hint = false} : vector<128x250xbf16>, vector<250x6144xbf16>, vector<128x6144xf32> -> vector<128x6144xf32>
    %slice3A_830 = vector.extract_strided_slice %transpose3A_30 {offsets = [0, 8], sizes = [128, 1], strides = [1, 1]} : vector<128x18xf32> to vector<128x1xf32>
    %add3A_831 = vector.broadcast %slice3A_830 : vector<128x1xf32> to vector<128x6144xf32>
    %add3A_832 = arith.addf %dot_general3A_829, %add3A_831 : vector<128x6144xf32>
    %custom_jvp_call3A_833 = arith.constant 0.000000e+00 : f32
    %max3A_834 = vector.broadcast %custom_jvp_call3A_833 : f32 to vector<128x6144xf32>
    %max3A_835 = arith.maximumf %add3A_832, %max3A_834 : vector<128x6144xf32>
    %sub3A_836 = vector.broadcast %custom_jvp_call3A_833 : f32 to vector<128x6144xf32>
    %sub3A_837 = arith.subf %add3A_832, %sub3A_836 : vector<128x6144xf32>
    %ne3A_838 = arith.cmpf one, %sub3A_837, %sub3A_837 : vector<128x6144xf32>
    %add3A_839 = vector.broadcast %custom_jvp_call3A_833 : f32 to vector<128x6144xf32>
    %add3A_840 = arith.addf %add3A_832, %add3A_839 : vector<128x6144xf32>
    %abs3A_841 = math.absf %sub3A_837 : vector<128x6144xf32>
    %neg3A_842 = arith.constant 0.000000e+00 : f32
    %neg3A_843 = vector.broadcast %neg3A_842 : f32 to vector<128x6144xf32>
    %neg3A_844 = arith.subf %neg3A_843, %abs3A_841 : vector<128x6144xf32>
    %exp3A_845 = math.exp %neg3A_844 : vector<128x6144xf32>
    %log1p3A_846 = math.log1p %exp3A_845 : vector<128x6144xf32>
    %add3A_847 = arith.addf %max3A_835, %log1p3A_846 : vector<128x6144xf32>
    %select_n3A_848 = arith.select %ne3A_838, %add3A_840, %add3A_847 : vector<128x6144xi1>, vector<128x6144xf32>
    %sub3A_849 = arith.constant 0.693147182 : f32
    %sub3A_850 = vector.broadcast %sub3A_849 : f32 to vector<128x6144xf32>
    %sub3A_851 = arith.subf %select_n3A_848, %sub3A_850 : vector<128x6144xf32>
    %convert_element_type3A_852 = arith.truncf %sub3A_851 : vector<128x6144xf32> to vector<128x6144xbf16>
    %dot_general3A_853 = arith.constant dense<0.000000e+00> : vector<128x6144xf32>
    %dot_general3A_854 = tpu.matmul %convert_element_type3A_706, %convert_element_type3A_852, %dot_general3A_853 {dimension_numbers = #tpu.dot_dimension_numbers<[1], [0], [0], [1], [0, 0, 1, 1], [], []>, transpose_lhs_hint = false} : vector<128x128xbf16>, vector<128x6144xbf16>, vector<128x6144xf32> -> vector<128x6144xf32>
    %slice3A_855 = vector.extract_strided_slice %transpose3A_30 {offsets = [0, 11], sizes = [128, 1], strides = [1, 1]} : vector<128x18xf32> to vector<128x1xf32>
    %add3A_856 = vector.broadcast %slice3A_855 : vector<128x1xf32> to vector<128x6144xf32>
    %add3A_857 = arith.addf %dot_general3A_854, %add3A_856 : vector<128x6144xf32>
    %slice3A_858 = vector.extract_strided_slice %mul3A_216 {offsets = [0, 6144], sizes = [1, 6144], strides = [1, 1]} : vector<1x12288xf32> to vector<1x6144xf32>
    %mul3A_859 = vector.broadcast %slice3A_858 : vector<1x6144xf32> to vector<128x6144xf32>
    %mul3A_860 = arith.mulf %add3A_857, %mul3A_859 : vector<128x6144xf32>
    %slice3A_861 = vector.extract_strided_slice %convert_element_type3A_94 {offsets = [0, 6144], sizes = [128, 6144], strides = [1, 1]} : vector<128x12288xbf16> to vector<128x6144xbf16>
    %dot_general3A_862 = arith.constant dense<0.000000e+00> : vector<128x6144xf32>
    %dot_general3A_863 = tpu.matmul %convert_element_type3A_727, %slice3A_861, %dot_general3A_862 {dimension_numbers = #tpu.dot_dimension_numbers<[1], [0], [0], [1], [0, 0, 1, 1], [], []>, transpose_lhs_hint = false} : vector<128x128xbf16>, vector<128x6144xbf16>, vector<128x6144xf32> -> vector<128x6144xf32>
    %slice3A_864 = vector.extract_strided_slice %convert_element_type3A_104 {offsets = [0, 6144], sizes = [128, 6144], strides = [1, 1]} : vector<128x12288xbf16> to vector<128x6144xbf16>
    %dot_general3A_865 = arith.constant dense<0.000000e+00> : vector<128x6144xf32>
    %dot_general3A_866 = tpu.matmul %convert_element_type3A_727, %slice3A_864, %dot_general3A_865 {dimension_numbers = #tpu.dot_dimension_numbers<[1], [0], [0], [1], [0, 0, 1, 1], [], []>, transpose_lhs_hint = false} : vector<128x128xbf16>, vector<128x6144xbf16>, vector<128x6144xf32> -> vector<128x6144xf32>
    %mul3A_867 = arith.mulf %dot_general3A_863, %dot_general3A_866 : vector<128x6144xf32>
    %mul3A_868 = arith.mulf %mul3A_867, %mul3A_860 : vector<128x6144xf32>
    %convert_element_type3A_869 = arith.truncf %mul3A_868 : vector<128x6144xf32> to vector<128x6144xbf16>
    %slice3A_870 = vector.extract_strided_slice %get3A_227 {offsets = [6144, 0], sizes = [6144, 128], strides = [1, 1]} : vector<12288x128xbf16> to vector<6144x128xbf16>
    %dot_general3A_871 = arith.constant dense<0.000000e+00> : vector<128x128xf32>
    %dot_general3A_872 = tpu.matmul %convert_element_type3A_869, %slice3A_870, %dot_general3A_871 {dimension_numbers = #tpu.dot_dimension_numbers<[1], [0], [0], [1], [0, 0, 1, 1], [], []>, transpose_lhs_hint = false} : vector<128x6144xbf16>, vector<6144x128xbf16>, vector<128x128xf32> -> vector<128x128xf32>
    %add3A_873 = arith.addf %add3A_819, %dot_general3A_872 : vector<128x128xf32>
    %dot_general3A_874 = arith.constant dense<0.000000e+00> : vector<128x128xf32>
    %dot_general3A_875 = tpu.matmul %transpose3A_718, %add3A_873, %dot_general3A_874 {dimension_numbers = #tpu.dot_dimension_numbers<[1], [0], [0], [1], [0, 0, 1, 1], [], []>, transpose_lhs_hint = false} : vector<128x128xf32>, vector<128x128xf32>, vector<128x128xf32> -> vector<128x128xf32>
    %slice3A_876 = vector.extract_strided_slice %transpose3A_30 {offsets = [0, 14], sizes = [128, 1], strides = [1, 1]} : vector<128x18xf32> to vector<128x1xf32>
    %add3A_877 = vector.broadcast %slice3A_876 : vector<128x1xf32> to vector<128x128xf32>
    %add3A_878 = arith.addf %dot_general3A_875, %add3A_877 : vector<128x128xf32>
    %custom_jvp_call3A_879 = arith.constant 0.000000e+00 : f32
    %max3A_880 = vector.broadcast %custom_jvp_call3A_879 : f32 to vector<128x128xf32>
    %max3A_881 = arith.maximumf %add3A_878, %max3A_880 : vector<128x128xf32>
    %sub3A_882 = vector.broadcast %custom_jvp_call3A_879 : f32 to vector<128x128xf32>
    %sub3A_883 = arith.subf %add3A_878, %sub3A_882 : vector<128x128xf32>
    %ne3A_884 = arith.cmpf one, %sub3A_883, %sub3A_883 : vector<128x128xf32>
    %add3A_885 = vector.broadcast %custom_jvp_call3A_879 : f32 to vector<128x128xf32>
    %add3A_886 = arith.addf %add3A_878, %add3A_885 : vector<128x128xf32>
    %abs3A_887 = math.absf %sub3A_883 : vector<128x128xf32>
    %neg3A_888 = arith.constant 0.000000e+00 : f32
    %neg3A_889 = vector.broadcast %neg3A_888 : f32 to vector<128x128xf32>
    %neg3A_890 = arith.subf %neg3A_889, %abs3A_887 : vector<128x128xf32>
    %exp3A_891 = math.exp %neg3A_890 : vector<128x128xf32>
    %log1p3A_892 = math.log1p %exp3A_891 : vector<128x128xf32>
    %add3A_893 = arith.addf %max3A_881, %log1p3A_892 : vector<128x128xf32>
    %select_n3A_894 = arith.select %ne3A_884, %add3A_886, %add3A_893 : vector<128x128xi1>, vector<128x128xf32>
    %sub3A_895 = arith.constant 0.693147182 : f32
    %sub3A_896 = vector.broadcast %sub3A_895 : f32 to vector<128x128xf32>
    %sub3A_897 = arith.subf %select_n3A_894, %sub3A_896 : vector<128x128xf32>
    %dot_general3A_898 = arith.constant dense<0.000000e+00> : vector<128x128xf32>
    %dot_general3A_899 = tpu.matmul %transpose3A_724, %sub3A_897, %dot_general3A_898 {dimension_numbers = #tpu.dot_dimension_numbers<[1], [0], [0], [1], [0, 0, 1, 1], [], []>, transpose_lhs_hint = false} : vector<128x128xf32>, vector<128x128xf32>, vector<128x128xf32> -> vector<128x128xf32>
    %add3A_900 = arith.addf %add3A_678, %dot_general3A_899 : vector<128x128xf32>
    %slice3A_901 = vector.extract_strided_slice %transpose3A_30 {offsets = [0, 17], sizes = [128, 1], strides = [1, 1]} : vector<128x18xf32> to vector<128x1xf32>
    %add3A_902 = vector.broadcast %slice3A_901 : vector<128x1xf32> to vector<128x128xf32>
    %add3A_903 = arith.addf %add3A_900, %add3A_902 : vector<128x128xf32>
    %transpose3A_904 = tpu.transpose %add3A_903, [1, 0] : vector<128x128xf32> -> vector<128x128xf32>
    %swap3A = arith.constant 0 : index
    %swap3A_905 = arith.constant 0 : index
    %swap3A_906 = arith.constant 0 : index
    %swap3A_907 = vector.load %arg30[%swap3A, %swap3A_905, %swap3A_906] : memref<1x128x128xf32, #tpu.memory_space<vmem>>, vector<1x128x128xf32>
    %swap3A_908 = vector.shape_cast %swap3A_907 : vector<1x128x128xf32> to vector<128x128xf32>
    %swap3A_909 = vector.shape_cast %transpose3A_904 : vector<128x128xf32> to vector<1x128x128xf32>
    tpu.vector_store %arg30[%swap3A, %swap3A_905, %swap3A_906], %swap3A_909 {strides = array<i32>} : memref<1x128x128xf32, #tpu.memory_space<vmem>>, vector<1x128x128xf32>,
    return
  }
  func.func @transform_0(%arg0: i32) -> (i32, i32) {
    %c0_i32 = arith.constant 0 : i32
    %c0_i32_0 = arith.constant 0 : i32
    return %arg0, %c0_i32 : i32, i32
  }
  func.func @transform_1(%arg0: i32) -> (i32, i32, i32) {
    %c0_i32 = arith.constant 0 : i32
    %c0_i32_0 = arith.constant 0 : i32
    %c0_i32_1 = arith.constant 0 : i32
    return %arg0, %c0_i32, %c0_i32_0 : i32, i32, i32
  }
  func.func @transform_2(%arg0: i32) -> (i32, i32, i32) {
    %c0_i32 = arith.constant 0 : i32
    %c0_i32_0 = arith.constant 0 : i32
    %c0_i32_1 = arith.constant 0 : i32
    return %arg0, %c0_i32, %c0_i32_0 : i32, i32, i32
  }
  func.func @transform_3(%arg0: i32) -> (i32, i32, i32) {
    %c0_i32 = arith.constant 0 : i32
    %c0_i32_0 = arith.constant 0 : i32
    %c0_i32_1 = arith.constant 0 : i32
    return %arg0, %c0_i32, %c0_i32_0 : i32, i32, i32
  }
  func.func @transform_4(%arg0: i32) -> (i32, i32, i32) {
    %c0_i32 = arith.constant 0 : i32
    %c0_i32_0 = arith.constant 0 : i32
    %c0_i32_1 = arith.constant 0 : i32
    return %arg0, %c0_i32, %c0_i32_0 : i32, i32, i32
  }
  func.func @transform_5(%arg0: i32) -> (i32, i32, i32) {
    %c0_i32 = arith.constant 0 : i32
    %c0_i32_0 = arith.constant 0 : i32
    %c0_i32_1 = arith.constant 0 : i32
    return %arg0, %c0_i32, %c0_i32_0 : i32, i32, i32
  }
  func.func @transform_6(%arg0: i32) -> (i32, i32, i32) {
    %c0_i32 = arith.constant 0 : i32
    %c0_i32_0 = arith.constant 0 : i32
    %c0_i32_1 = arith.constant 0 : i32
    return %arg0, %c0_i32, %c0_i32_0 : i32, i32, i32
  }
  func.func @transform_7(%arg0: i32) -> (i32, i32) {
    %c0_i32 = arith.constant 0 : i32
    %c0_i32_0 = arith.constant 0 : i32
    %c0_i32_1 = arith.constant 0 : i32
    return %c0_i32, %c0_i32_0 : i32, i32
  }
  func.func @transform_8(%arg0: i32) -> (i32, i32) {
    %c0_i32 = arith.constant 0 : i32
    %c0_i32_0 = arith.constant 0 : i32
    %c0_i32_1 = arith.constant 0 : i32
    return %c0_i32, %c0_i32_0 : i32, i32
  }
  func.func @transform_9(%arg0: i32) -> (i32, i32) {
    %c0_i32 = arith.constant 0 : i32
    %c0_i32_0 = arith.constant 0 : i32
    %c0_i32_1 = arith.constant 0 : i32
    return %c0_i32, %c0_i32_0 : i32, i32
  }
  func.func @transform_10(%arg0: i32) -> (i32, i32) {
    %c0_i32 = arith.constant 0 : i32
    %c0_i32_0 = arith.constant 0 : i32
    %c0_i32_1 = arith.constant 0 : i32
    return %c0_i32, %c0_i32_0 : i32, i32
  }
  func.func @transform_11(%arg0: i32) -> (i32, i32) {
    %c0_i32 = arith.constant 0 : i32
    %c0_i32_0 = arith.constant 0 : i32
    %c0_i32_1 = arith.constant 0 : i32
    return %c0_i32, %c0_i32_0 : i32, i32
  }
  func.func @transform_12(%arg0: i32) -> (i32, i32) {
    %c0_i32 = arith.constant 0 : i32
    %c0_i32_0 = arith.constant 0 : i32
    %c0_i32_1 = arith.constant 0 : i32
    return %c0_i32, %c0_i32_0 : i32, i32
  }
  func.func @transform_13(%arg0: i32) -> (i32, i32) {
    %c0_i32 = arith.constant 0 : i32
    %c0_i32_0 = arith.constant 0 : i32
    %c0_i32_1 = arith.constant 0 : i32
    return %c0_i32, %c0_i32_0 : i32, i32
  }
  func.func @transform_14(%arg0: i32) -> (i32, i32) {
    %c0_i32 = arith.constant 0 : i32
    %c0_i32_0 = arith.constant 0 : i32
    %c0_i32_1 = arith.constant 0 : i32
    return %c0_i32, %c0_i32_0 : i32, i32
  }
  func.func @transform_15(%arg0: i32) -> (i32, i32) {
    %c0_i32 = arith.constant 0 : i32
    %c0_i32_0 = arith.constant 0 : i32
    %c0_i32_1 = arith.constant 0 : i32
    return %c0_i32, %c0_i32_0 : i32, i32
  }
  func.func @transform_16(%arg0: i32) -> (i32, i32, i32) {
    %c0_i32 = arith.constant 0 : i32
    %c0_i32_0 = arith.constant 0 : i32
    %c0_i32_1 = arith.constant 0 : i32
    %c0_i32_2 = arith.constant 0 : i32
    return %c0_i32, %c0_i32_0, %c0_i32_1 : i32, i32, i32
  }
  func.func @transform_17(%arg0: i32) -> (i32, i32) {
    %c0_i32 = arith.constant 0 : i32
    %c0_i32_0 = arith.constant 0 : i32
    %c0_i32_1 = arith.constant 0 : i32
    return %c0_i32, %c0_i32_0 : i32, i32
  }
  func.func @transform_18(%arg0: i32) -> (i32, i32, i32) {
    %c0_i32 = arith.constant 0 : i32
    %c0_i32_0 = arith.constant 0 : i32
    %c0_i32_1 = arith.constant 0 : i32
    %c0_i32_2 = arith.constant 0 : i32
    return %c0_i32, %c0_i32_0, %c0_i32_1 : i32, i32, i32
  }
  func.func @transform_19(%arg0: i32) -> (i32, i32) {
    %c0_i32 = arith.constant 0 : i32
    %c0_i32_0 = arith.constant 0 : i32
    %c0_i32_1 = arith.constant 0 : i32
    return %c0_i32, %c0_i32_0 : i32, i32
  }
  func.func @transform_20(%arg0: i32) -> (i32, i32, i32) {
    %c0_i32 = arith.constant 0 : i32
    %c0_i32_0 = arith.constant 0 : i32
    %c0_i32_1 = arith.constant 0 : i32
    %c0_i32_2 = arith.constant 0 : i32
    return %c0_i32, %c0_i32_0, %c0_i32_1 : i32, i32, i32
  }
  func.func @transform_21(%arg0: i32) -> (i32, i32) {
    %c0_i32 = arith.constant 0 : i32
    %c0_i32_0 = arith.constant 0 : i32
    %c0_i32_1 = arith.constant 0 : i32
    return %c0_i32, %c0_i32_0 : i32, i32
  }
  func.func @transform_22(%arg0: i32) -> (i32, i32, i32) {
    %c0_i32 = arith.constant 0 : i32
    %c0_i32_0 = arith.constant 0 : i32
    %c0_i32_1 = arith.constant 0 : i32
    %c0_i32_2 = arith.constant 0 : i32
    return %c0_i32, %c0_i32_0, %c0_i32_1 : i32, i32, i32
  }
  func.func @transform_23(%arg0: i32) -> (i32, i32) {
    %c0_i32 = arith.constant 0 : i32
    %c0_i32_0 = arith.constant 0 : i32
    %c0_i32_1 = arith.constant 0 : i32
    return %c0_i32, %c0_i32_0 : i32, i32
  }
  func.func @transform_24(%arg0: i32) -> (i32, i32, i32) {
    %c0_i32 = arith.constant 0 : i32
    %c0_i32_0 = arith.constant 0 : i32
    %c0_i32_1 = arith.constant 0 : i32
    %c0_i32_2 = arith.constant 0 : i32
    return %c0_i32, %c0_i32_0, %c0_i32_1 : i32, i32, i32
  }
  func.func @transform_25(%arg0: i32) -> (i32, i32, i32) {
    %c0_i32 = arith.constant 0 : i32
    %c0_i32_0 = arith.constant 0 : i32
    %c0_i32_1 = arith.constant 0 : i32
    %c0_i32_2 = arith.constant 0 : i32
    return %c0_i32, %c0_i32_0, %c0_i32_1 : i32, i32, i32
  }
  func.func @transform_26(%arg0: i32) -> (i32, i32) {
    %c0_i32 = arith.constant 0 : i32
    %c0_i32_0 = arith.constant 0 : i32
    %c0_i32_1 = arith.constant 0 : i32
    return %c0_i32, %c0_i32_0 : i32, i32
  }
  func.func @transform_27(%arg0: i32) -> (i32, i32, i32) {
    %c0_i32 = arith.constant 0 : i32
    %c0_i32_0 = arith.constant 0 : i32
    %c0_i32_1 = arith.constant 0 : i32
    %c0_i32_2 = arith.constant 0 : i32
    return %c0_i32, %c0_i32_0, %c0_i32_1 : i32, i32, i32
  }
  func.func @transform_28(%arg0: i32) -> (i32, i32) {
    %c0_i32 = arith.constant 0 : i32
    %c0_i32_0 = arith.constant 0 : i32
    %c0_i32_1 = arith.constant 0 : i32
    return %c0_i32, %c0_i32_0 : i32, i32
  }
  func.func @transform_29(%arg0: i32) -> (i32, i32, i32) {
    %c0_i32 = arith.constant 0 : i32
    %c0_i32_0 = arith.constant 0 : i32
    %c0_i32_1 = arith.constant 0 : i32
    return %arg0, %c0_i32, %c0_i32_0 : i32, i32, i32
  }
}

</mosaic_0001>

<sc_bundles>
// kernel: kernel.4.cloned.1.call-start
scs
__scs_entry_jumppad:
0x0: {  	(pc) =	sbr.rel $0x88, $3  }
0x1: {  	(tag) =	ssettag $0x0;
	lr =	simm.s32 $0x1  }
0x2: {  	[smem:$0x3F8C] =	sst lr;
	_ =	strace $0xD0000000  }
0x3: {  	_ = 	snop  }
0x4: {  	_ = 	snop  }
0x5: {  	_ = 	snop  }
0x6: {  	_ = 	snop  }
0x7: {  	_ = 	snop  }
__scs_overlays_trampoline_lowered:
0x8: {  	[smem:$0x3F9B] =	sst s0  }
0x9: {  	[smem:$0x3F9C] =	sst s1  }
0xa: {  	[smem:$0x3F9D] =	sst s2  }
0xb: {  	[smem:$0x3F9E] =	sst s3  }
0xc: {  	[smem:$0x3F9F] =	sst s4  }
0xd: {  	[smem:$0x3FA0] =	sst s5  }
0xe: {  	[smem:$0x3FA1] =	sst s6  }
0xf: {  	[smem:$0x3FA2] =	sst s7  }
0x10: {  	[smem:$0x3FA3] =	sst s8  }
0x11: {  	[smem:$0x3FA4] =	sst s9;
	s0 =	simm.s32 @!p0 $0x0  }
0x12: {  	s1 =	sld [smem:$0x3F8A];
	s0 =	simm.s32 @p0 $0x1  }
0x13: {  	[smem:$0x3FA5] =	sst s0;
	s0 =	simm.s32 @!p1 $0x0  }
0x14: {  	s2 =	sld [smem:$0x3F89];
	s0 =	simm.s32 @p1 $0x1  }
0x15: {  	[smem:$0x3FA6] =	sst s0;
	s0 =	simm.s32 @!p2 $0x0  }
0x16: {  	s3 =	sld [smem:$0x3FDB];
	s0 =	simm.s32 @p2 $0x1  }
0x17: {  	s4 =	simm.s32 $0x1BF5;
	[smem:$0x3FA8] =	sst s0  }
0x18: {  	s0 =	sld [smem:$0x3F8B];
	_ =	swait.ge [sflag:s4], $0x0  }
0x19: {  	s7 =	sld [smem:$0x3F8C]  }
0x1a: {  	s8 =	sadd.s32 $0xFFFFE003, lr  }
0x1b: {  	s9 =	sadd.s32 $0xFFFFFEF7, lr;
	s5 =	simm.s32 $0xFFFFFFFF;
	p2 =	slt.u32 s8, $0xFFFFF086  }
0x1c: {  	p1 =	slt.u32 s9, $0xF7A;
	s5 =	simm.s32 @!p2 $0x0  }
0x1d: {  	s5 =	simm.s32 @p1 $0x1;
	p0 =	seq.s32 s7, s2  }
0x1e: {  	s7 =	smul.u32 @!p0 $0xF7A, s2;
	p2 =	seq.s32 @!p0 s5, $0x0  }
0x1f: {  	s9 =	smul.u32 $0xF7A, s1;
	s8 =	simm.s32 @!p0 $0x1BF5;
	p2 =	por !p2, p0  }
0x20: {  	[sflag:s8] =	ssyncset.s32 @!p0 $0xFFFFF086;
	s6 =	sadd.s32 @!p0 s3, s7;
	s7 =	simm.s32 @!p0 $0x108  }
0x21: {  	s3 =	sadd.s32 s3, s9;
	s6 =	sadd.s32 @!p0 $0x88, s6;
	s7 =	simm.s32 @p2 $0x1082  }
0x22: {  	[simem:s7], [sflag:s8] =	dma.local @!p0 [hbm:s6], $0xF7A  }
0x23: {  	s9 =	sor.u32 $0xD0000000, s2;
	s6 =	simm.s32 $0x108;
	_ =	swait.ge @!p0 [sflag:s8], $0x0  }
0x24: {  	s3 =	sadd.s32 $0x88, s3;
	s6 =	simm.s32 @!p1 $0x1082;
	[sflag:s4] =	ssyncset.s32 $0xFFFFF086  }
0x25: {  	[simem:s6], [sflag:s4] =	dma.local [hbm:s3], $0xF7A  }
0x26: {  	[smem:$0x3F8C] =	sst s1;
	(tag) =	ssettag s2;
	_ =	strace s9  }
0x27: {  	s1 =	sld [smem:$0x3F9C]  }
0x28: {  	s2 =	sld [smem:$0x3F9D]  }
0x29: {  	s4 =	sld [smem:$0x3F9F]  }
0x2a: {  	p0 =	seq.s32 s5, $0x0;
	s5 =	sld [smem:$0x3FA0]  }
0x2b: {  	s6 =	sld [smem:$0x3FA1]  }
0x2c: {  	s7 =	sld [smem:$0x3FA2]  }
0x2d: {  	s3 =	simm.s32 $0x108;
	s8 =	sld [smem:$0x3FA3]  }
0x2e: {  	s3 =	simm.s32 @!p0 $0x1082;
	s9 =	sld [smem:$0x3FA4]  }
0x2f: {  	lr =	sadd.s32 s0, s3;
	s0 =	sld [smem:$0x3F9B]  }
0x30: {  	s3 =	sld [smem:$0x3F9E]  }
0x31: {  	[smem:$0x3FA7] =	sst s10  }
0x32: {  	s10 =	sld [smem:$0x3FA5];
	_ =	sdelay $0x3  }
0x33: {  	p0 =	seq.s32 s10, $0x1;
	s10 =	sld [smem:$0x3FA7];
	_ =	sdelay $0x3  }
0x34: {  	[smem:$0x3FA7] =	sst s10  }
0x35: {  	s10 =	sld [smem:$0x3FA6];
	_ =	sdelay $0x3  }
0x36: {  	p1 =	seq.s32 s10, $0x1;
	s10 =	sld [smem:$0x3FA7];
	_ =	sdelay $0x3  }
0x37: {  	[smem:$0x3FA7] =	sst s10  }
0x38: {  	s10 =	sld [smem:$0x3FA8]  }
0x39: {  	_ = 	snop;
	(pc) =	sbr.ind lr, $3  }
0x3a: {  	_ = 	snop  }
0x3b: {  	_ = 	snop  }
0x3c: {  	p2 =	seq.s32 s10, $0x1;
	s10 =	sld [smem:$0x3FA7]  }
0x3d: {  	_ =	shalt  }
0x3e: {  	_ =	shalt  }
0x3f: {  	_ =	shalt  }
0x40: {  	_ =	shalt  }
0x41: {  	_ =	shalt  }
0x42: {  	_ =	shalt  }
0x43: {  	_ =	shalt  }
0x44: {  	_ =	shalt  }
0x45: {  	_ =	shalt  }
0x46: {  	_ =	shalt  }
0x47: {  	_ =	shalt  }
0x48: {  	_ =	shalt  }
0x49: {  	_ =	shalt  }
0x4a: {  	_ =	shalt  }
0x4b: {  	_ =	shalt  }
0x4c: {  	_ =	shalt  }
0x4d: {  	_ =	shalt  }
0x4e: {  	_ =	shalt  }
0x4f: {  	_ =	shalt  }
0x50: {  	_ =	shalt  }
0x51: {  	_ =	shalt  }
0x52: {  	_ =	shalt  }
0x53: {  	_ =	shalt  }
0x54: {  	_ =	shalt  }
0x55: {  	_ =	shalt  }
0x56: {  	_ =	shalt  }
0x57: {  	_ =	shalt  }
0x58: {  	_ =	shalt  }
0x59: {  	_ =	shalt  }
0x5a: {  	_ =	shalt  }
0x5b: {  	_ =	shalt  }
0x5c: {  	_ =	shalt  }
0x5d: {  	_ =	shalt  }
0x5e: {  	_ =	shalt  }
0x5f: {  	_ =	shalt  }
0x60: {  	_ =	shalt  }
0x61: {  	_ =	shalt  }
0x62: {  	_ =	shalt  }
0x63: {  	_ =	shalt  }
0x64: {  	_ =	shalt  }
0x65: {  	_ =	shalt  }
0x66: {  	_ =	shalt  }
0x67: {  	_ =	shalt  }
0x68: {  	_ =	shalt  }
0x69: {  	_ =	shalt  }
0x6a: {  	_ =	shalt  }
0x6b: {  	_ =	shalt  }
0x6c: {  	_ =	shalt  }
0x6d: {  	_ =	shalt  }
0x6e: {  	_ =	shalt  }
0x6f: {  	_ =	shalt  }
0x70: {  	_ =	shalt  }
0x71: {  	_ =	shalt  }
0x72: {  	_ =	shalt  }
0x73: {  	_ =	shalt  }
0x74: {  	_ =	shalt  }
0x75: {  	_ =	shalt  }
0x76: {  	_ =	shalt  }
0x77: {  	_ =	shalt  }
0x78: {  	_ =	shalt  }
0x79: {  	_ =	shalt  }
0x7a: {  	_ =	shalt  }
0x7b: {  	_ =	shalt  }
0x7c: {  	_ =	shalt  }
0x7d: {  	_ =	shalt  }
0x7e: {  	_ =	shalt  }
0x7f: {  	_ =	shalt  }
0x80: {  	_ =	shalt  }
0x81: {  	_ =	shalt  }
0x82: {  	_ =	shalt  }
0x83: {  	_ =	shalt  }
0x84: {  	_ =	shalt  }
0x85: {  	_ =	shalt  }
0x86: {  	_ =	shalt  }
0x87: {  	_ =	shalt  }
.Lfunc_end0:
.L_simem_size_0:
called_computation_lowered:
.L_overlay_start_0:
0x88: {  	s2 =	sld [smem:$0x3FD9]  }
0x89: {  	s3 =	sld [smem:$0x3FFE];
	_ =	sdelay $0x1  }
0x8a: {  	s1 =	srdreg.scid  }
0x8b: {  	s0 =	sand.u32 $0x1, s1  }
0x8c: {  	s18 =	sshll.u32 s0, $0xA;
	s2 =	sadd.s32 s3, s2  }
0x8d: {  	s2 =	sadd.s32 s2, s18  }
0x8e: {  	[smem:$0x3FB3] =	sst s2  }
0x8f: {  	_ = 	snop  }
0x90: {  	s2 =	sld [smem:$0x3FC9]  }
0x91: {  	s19 =	sld [smem:$0x3FC2]  }
0x92: {  	s4 =	sld [smem:$0x3FD0];
	(tm) =	ssettm $0x1  }
0x93: {  	s5 =	sld [smem:$0x3FFB];
	_ =	sdelay $0x3  }
0x94: {  	_ =	strace s5  }
0x95: {  	s5 =	sld [smem:$0x3FFC];
	_ =	sdelay $0x3  }
0x96: {  	_ =	strace s5  }
0x97: {  	s5 =	sld [smem:$0x3FFD];
	_ =	sdelay $0x3  }
0x98: {  	_ =	strace s5  }
0x99: {  	_ =	strace $0x8FFFFFFF  }
0x9a: {  	s20 =	sld [smem:$0x3FDB];
	_ =	sdelay $0x1  }
0x9b: {  	s6 =	simm.s32 $_scs_section_size  }
0x9c: {  	s7 =	simm.s32 $_size__tile_overlayer_lowered;
	s8 =	simm.s32 $_tile_overlayer_lowered  }
0x9d: {  	s23 =	simm.s32 $0x1BFF;
	s22 =	sshll.u32 s8, $0x1;
	s5 =	sadd.s32 s6, s20  }
0x9e: {  	s9 =	simm.s32 $0x0;
	s21 =	sshll.u32 s7, $0x1;
	s7 =	sadd.s32 s22, s5  }
0x9f: {  	[timem:s9], [sflag:s23] =	dma.local [hbm:s7], s21  }
0xa0: {  	_ =	swait.ge [sflag:s23], s21  }
0xa1: {  	s6 =	ssub.s32 $0x0, s21;
	[sflag:s23] =	ssyncset.done $0x0  }
0xa2: {  	[sflag:s23] =	ssyncadd.s32 s6;
	_ =	sdelay $0x1  }
0xa3: {  	s24 =	simm.s32 $0x1B8B  }
0xa4: {  	_ =	swait.ge [sflag:s24], $0x1  }
0xa5: {  	[sflag:s24] =	ssyncset.done $0x0  }
0xa6: {  	s25 =	simm.s32 $0x1B8E;
	[sflag:s24] =	ssyncadd.s32 $0xFFFFFFFF  }
0xa7: {  	s26 =	simm.s32 $execute0_lowered;
	[smem:$0x3FD2] =	sst s25  }
0xa8: {  	s6 =	sshll.u32 s26, $0x1;
	_ =	strace $0x80000046;
	[dreg:$0x1] =	wrdreg $0xFFFFFFFF  }
0xa9: {  	s28 =	simm.s32 $_size_execute0_lowered;
	s5 =	sadd.s32 s5, s6;
	[dreg:$0x0] =	wrdreg $0x0  }
0xaa: {  	s6 =	sshll.u32 s28, $0x1;
	[dreg:$0x2] =	wrdreg s5  }
0xab: {  	[dreg:$0x3] =	wrdreg s6  }
0xac: {  	[dreg:$0x4] =	wrdreg $0xC0  }
0xad: {  	_ =	task [dreg:s9], $0x5FFFF  }
0xae: {  	[dreg:$0x1] =	wrdreg $0xFFFFFFFF  }
0xaf: {  	[dreg:$0x0] =	wrdreg $0x60  }
0xb0: {  	[dreg:$0x2] =	wrdreg s2  }
0xb1: {  	[dreg:$0x3] =	wrdreg s19  }
0xb2: {  	[dreg:$0x4] =	wrdreg s4  }
0xb3: {  	[dreg:$0x5] =	wrdreg $0x9  }
0xb4: {  	_ =	task.clear_ibuf [dreg:s9], $0x6FFFF;
	_ =	strace $0x90000046  }
0xb5: {  	s29 =	simm.s32 $0x9;
	_ =	strace $0x80000048  }
0xb6: {  	_ =	swait.ge [sflag:s29], $0x1  }
0xb7: {  	[sflag:s29] =	ssyncadd.s32 $0xFFFFFFFF  }
0xb8: {  	_ =	strace $0x90000048  }
0xb9: {  	_ =	sfence  }
0xba: {  	s30 =	sld [smem:$0x0];
	_ =	sdelay $0x2  }
0xbb: {  	s31 =	sshll.u32 s1, $0xD;
	s1 =	sshrl.u32 s1, $0x2  }
0xbc: {  	s3 =	sand.u32 $0x4000, s31;
	s1 =	sadd.s32 s1, s30  }
0xbd: {  	s0 =	sor.u32 s3, s0;
	s1 =	sshll.u32 s1, $0x11  }
0xbe: {  	s0 =	sor.u32 s1, s0  }
0xbf: {  	s0 =	sadd.s32 $0x8F2B, s0  }
0xc0: {  	[sflag:s0] =	ssyncadd.remote.s32 $0x1  }
0xc1: {  	_ =	sfence.sel $0xFFFF  }
0xc2: {  	[dreg:$0x0] =	wrdreg $0xFFFFFFFF;
	(pc) =	sbr.abs _section_cstart, $3  }
0xc3: {  	[dreg:$0x1] =	wrdreg $0xFFFFFFFF  }
0xc4: {  	_ =	task.clear_ibuf [dreg:s9], $0x2FFFF;
	_ =	strace $0x9FFFFFFF  }
0xc5: {  	(tm) =	ssettm $0x7FFFFFFF  }
tec
execute0_lowered:
.L_overlay_start_1:
0x0: {  	(tag) =	ssettag $0x1  }
0x1: {  	s4 =	rddreg [dreg:$0x0]  }
0x2: {  	s1 =	srdreg.scid;
	s2 =	rddreg [dreg:$0x1]  }
0x3: {  	s0 =	stileid.u32;
	s9 =	rddreg [dreg:$0x2];
	s6 =	sand.u32 $0x1, s1  }
0x4: {  	s3 =	simm.s32 $0x0;
	s5 =	sshll.u32 s0, $0x5;
	s7 =	sshll.u32 s6, $0x4  }
0x5: {  	[smem:$0x7FF] =	sst s3;
	s10 =	sor.u32 s7, s5  }
0x6: {  	s1 =	rddreg [dreg:$0x3];
	_ =	strace $0x80000047;
	s5 =	sshrl.u32 s10, $0x3  }
0x7: {  	s11 =	ssub.s32 $0x2, s6;
	s5 =	sadd.s32 s4, s5;
	s4 =	simm.s32 $0x2  }
0x8: {  	[tilespmem:s3], [sflag:$0x2] =	stream.linear.gather [hbm4b:s5+s3], $0x10, $0x38;
	[tilespmem:$0x880] =	vst v63  }
0x9: {  	s8 =	simm.s32 $0x1;
	s12 =	sshrl.u32 s11, $0x1;
	_ =	swait.ge [sflag:s4], $0x10  }
0xa: {  	s6 =	simm.s32 $0x10;
	s11 =	ssub.s32 s11, s12;
	[sflag:s4] =	ssyncset.done $0x0  }
0xb: {  	s7 =	simm.s32 $0x80;
	s31 =	smax.u32 s11, $0x1;
	[sflag:s4] =	ssyncadd.s32 $0xFFFFFFF0  }
0xc: {  	[tilespmem:s7], [sflag:$0x1] =	stream.indirect.gather [hbm4b:s2+s6], $0x80, s3, s6, $0xb8;
	[tilespmem:$0x880] =	vst v63  }
0xd: {  	p0 =	sne.s32 s31, $0x1;
	_ =	swait.ge [sflag:s8], $0x800  }
.Ltmp0:
0xe: {  	s10 =	sshll.u32 s10, $0x4;
	[sflag:s8] =	ssyncset.done $0x0;
	(pc) =	sbr.rel @!p0 .LBB2_2-.Ltmp0, $4  }
0xf: {  	s9 =	sadd.s32 s9, s10;
	[sflag:s8] =	ssyncadd.s32 $0xFFFFF800  }
0x10: {  	[hbm4b:s9+s3] =	stream.linear.scatter [tilespmem:s7], [sflag:$0x2], $0x800, $0x38;
	[tilespmem:$0x880] =	vst v63  }
0x11: {  	_ =	swait.ge [sflag:s4], $0x800  }
0x12: {  	s10 =	sadd.s32 $0xFFFFFFFF, s31;
	[sflag:s4] =	ssyncset.done $0x0  }
.LBB2_1:
0x13: {  	p0 =	sne.s32 s10, $0x1;
	s10 =	sadd.s32 $0xFFFFFFFF, s10;
	[sflag:s4] =	ssyncadd.s32 $0xFFFFF800  }
0x14: {  	[tilespmem:s3], [sflag:$0x2] =	stream.linear.gather [hbm4b:s5+s3], $0x10, $0x38;
	[tilespmem:$0x880] =	vst v63  }
0x15: {  	_ =	swait.ge [sflag:s4], $0x10  }
0x16: {  	[sflag:s4] =	ssyncset.done $0x0  }
0x17: {  	[sflag:s4] =	ssyncadd.s32 $0xFFFFFFF0  }
0x18: {  	[tilespmem:s7], [sflag:$0x1] =	stream.indirect.gather [hbm4b:s2+s6], $0x80, s3, s6, $0xb8;
	[tilespmem:$0x880] =	vst v63  }
0x19: {  	_ =	swait.ge [sflag:s8], $0x800  }
.Ltmp1:
0x1a: {  	[sflag:s8] =	ssyncset.done $0x0;
	(pc) =	sbr.rel @p0 .LBB2_1-.Ltmp1, $4  }
0x1b: {  	[sflag:s8] =	ssyncadd.s32 $0xFFFFF800  }
0x1c: {  	[hbm4b:s9+s3] =	stream.linear.scatter [tilespmem:s7], [sflag:$0x2], $0x800, $0x38;
	[tilespmem:$0x880] =	vst v63  }
0x1d: {  	_ =	swait.ge [sflag:s4], $0x800  }
0x1e: {  	[sflag:s4] =	ssyncset.done $0x0  }
.LBB2_2:
0x1f: {  	[sflag:s4] =	ssyncadd.s32 $0xFFFFF800  }
0x20: {  	_ =	sfence.sel $0x180000  }
0x21: {  	[bflag:$0x0] =	sbarrier.arrive $0xFFFF  }
0x22: {  	p0 =	sne.s32 s0, $0x0;
	_ =	strace $0x90000047  }
0x23: {  	s0 =	sadd.s32 @!p0 $0x100000, s1;
	[bflag:$0x2] =	sbarrier.arrive $0xFFFF  }
0x24: {  	[sflag:s0] =	ssyncadd.tile.s32 @!p0 $0x1;
	_ =	shalt  }
.Lfunc_end2:
_tile_overlayer_lowered:
.L_overlay_start_2:
0x25: {  	(tag) =	ssettag $0x2  }
0x26: {  	s0 =	rddreg [dreg:$0x0];
	s2 =	stileid.u32  }
0x27: {  	s1 =	rddreg [dreg:$0x1];
	p0 =	sne.s32 s2, $0x0  }
0x28: {  	s3 =	rddreg [dreg:$0x2];
	[bflag:$0x3] =	sbarrier.arrive $0xFFFF;
	s2 =	simm.s32 @!p0 $0x1C02  }
0x29: {  	[timem:s3], [sflag:s2] =	dma.local @!p0 [hbm:s0], s1  }
0x2a: {  	s0 =	simm.s32 @!p0 $0x2  }
0x2b: {  	_ =	swait.ge @!p0 [sflag:s0], s1  }
0x2c: {  	s1 =	ssub.s32 @!p0 $0x0, s1;
	[sflag:s0] =	ssyncset.done @!p0 $0x0  }
0x2d: {  	[sflag:s0] =	ssyncadd.s32 @!p0 s1  }
0x2e: {  	[bflag:$0x3] =	sbarrier.arrive $0xFFFF  }
0x2f: {  	_ =	shalt  }

</sc_bundles>
